<compile_context>
chip_gen: v7x
topology: tpu7x:2x2x1
jax: 0.10.2.dev20260603
libtpu: 0.0.44.dev20260713+nightly
codegen_flags: <defaults>
</compile_context>

<pallas_src>
import functools

import jax
import jax.numpy as jnp
from jax import lax
from jax.experimental import pallas as pl
from jax.experimental.pallas import tpu as pltpu
from jax.experimental.pallas import tpu_sc as plsc

NUM_CORES = 2
NUM_SUBCORES = 16
LANES = 16
NUM_WORKERS = NUM_CORES * NUM_SUBCORES

ROWS = 16384
COLS = 200
ROWS_PER_WORKER = ROWS // NUM_WORKERS
NCHUNKS = 4
CHUNK_ROWS = ROWS_PER_WORKER // NCHUNKS
GROUPS_PER_CHUNK = CHUNK_ROWS // LANES
FULL_COL_CHUNKS = COLS // LANES
TAIL_START = COLS - LANES


@functools.partial(
    pl.kernel,
    out_type=jax.ShapeDtypeStruct((ROWS,), jnp.float32),
    mesh=plsc.VectorSubcoreMesh(core_axis_name="c", subcore_axis_name="s"),
    scratch_types=[
        pltpu.VMEM((CHUNK_ROWS, COLS), jnp.int32),
        pltpu.VMEM((CHUNK_ROWS, COLS), jnp.int32),
        pltpu.VMEM((ROWS_PER_WORKER,), jnp.float32),
        pltpu.VMEM((ROWS_PER_WORKER,), jnp.float32),
        pltpu.VMEM((LANES,), jnp.float32),
        pltpu.SemaphoreType.DMA,
        pltpu.SemaphoreType.DMA,
    ],
)
def _sae_add(species_hbm, energies_hbm, table_hbm, out_hbm,
             sp0, sp1, en_v, out_v, tab_v, sem0, sem1):
    wid = lax.axis_index("s") * NUM_CORES + lax.axis_index("c")
    base = wid * ROWS_PER_WORKER

    pltpu.sync_copy(table_hbm, tab_v)
    pltpu.sync_copy(energies_hbm.at[pl.ds(base, ROWS_PER_WORKER)], en_v)

    tab = tab_v[...]
    lane = jnp.arange(LANES, dtype=jnp.int32)
    tail_keep = lane >= (LANES - (COLS - FULL_COL_CHUNKS * LANES))
    butterfly = [lane ^ h for h in (8, 4, 2, 1)]

    bufs = (sp0, sp1)
    sems = (sem0, sem1)

    def start_in(g):
        return pltpu.async_copy(
            species_hbm.at[pl.ds(base + g * CHUNK_ROWS, CHUNK_ROWS)],
            bufs[g % 2], sems[g % 2])

    ins = {0: start_in(0)}
    for g in range(NCHUNKS):
        buf = bufs[g % 2]
        ins[g].wait()
        if g + 1 < NCHUNKS:
            ins[g + 1] = start_in(g + 1)

        def row_sum(r):
            def col_body(cb, acc):
                c0 = cb * (4 * LANES)
                for u in range(4):
                    sv = buf[r, pl.ds(c0 + u * LANES, LANES)]
                    acc = acc + jnp.take_along_axis(tab, sv & 15, axis=0)
                return acc
            acc = lax.fori_loop(
                0, FULL_COL_CHUNKS // 4, col_body,
                jnp.zeros((LANES,), jnp.float32))
            svt = buf[r, pl.ds(TAIL_START, LANES)]
            tvt = jnp.take_along_axis(tab, svt & 15, axis=0)
            acc = acc + jnp.where(tail_keep, tvt, 0.0)
            for perm in butterfly:
                acc = acc + jnp.take_along_axis(acc, perm, axis=0)
            return acc

        def group_body(grp, _):
            def lane_body(k, res):
                s = row_sum(grp * LANES + k)
                return jnp.where(lane == k, s, res)
            res = lax.fori_loop(
                0, LANES, lane_body, jnp.zeros((LANES,), jnp.float32))
            row0 = g * CHUNK_ROWS + grp * LANES
            out_v[pl.ds(row0, LANES)] = res + en_v[pl.ds(row0, LANES)]
            return 0

        lax.fori_loop(0, GROUPS_PER_CHUNK, group_body, 0)

    pltpu.sync_copy(out_v, out_hbm.at[pl.ds(base, ROWS_PER_WORKER)])


def kernel(species, energies, self_energies):
    table16 = jnp.pad(self_energies.astype(jnp.float32), (0, 16 - 10))
    new_energies = _sae_add(species, energies, table16)
    return (species, new_energies)

# --- scband reference (transcript-rebuilt; emitter-appended) ---
"""Pipeline reference for scband-energy-shifter-12094627905839 (READ-ONLY COPY).

The authoritative reference and input builder live on the scoring server;
editing this copy changes nothing except your own understanding.
"""

import jax, jax.numpy as jnp
import numpy as np

SELF_ENERGIES = [-0.600953, -38.08316, -54.707756, -75.194466, -99.80631, -0.499321, -37.845, -54.583861, -75.064579, -99.624472]


def setup_inputs(seed: int = 0) -> dict:
    key = jax.random.key(seed)
    k1, k2 = jax.random.split(key)
    species = jax.random.randint(k1, (16384, 200), 0, 10, dtype=jnp.int64 if jax.config.read('jax_enable_x64') else jnp.int32)
    energies = jax.random.normal(k2, (16384,), dtype=jnp.float32)
    self_energies = jnp.asarray(SELF_ENERGIES, dtype=jnp.float32)
    return {"species": species, "energies": energies, "self_energies": self_energies}


def _sae(self_energies, species):
    # Gather per-atom self energies; padding atoms (species == -1) excluded.
    idx = jnp.where(species == -1, 0, species)
    per_atom = jnp.take(self_energies, idx, axis=0)
    per_atom = jnp.where(species == -1, jnp.zeros_like(per_atom), per_atom)
    return per_atom.sum(axis=1)


def reference(species, energies, self_energies):
    sae = _sae(self_energies, species).astype(energies.dtype)
    return (species, energies + sae)

if __name__ == "__main__":
    import jax
    _d = setup_inputs()
    print(jax.jit(kernel)(*tuple(_d.values())))

</pallas_src>

<mosaic_0001>
#map = affine_map<(d0, d1) -> (0, 0)>
#map1 = affine_map<(d0, d1) -> (0)>
module attributes {stable_mosaic.version = 14 : i64} {
  func.func @_sae_add(%arg0: i32, %arg1: i32, %arg2: memref<16384x200xi32, #tpu.memory_space<hbm>>, %arg3: memref<16384xf32, #tpu.memory_space<hbm>>, %arg4: memref<16xf32, #tpu.memory_space<hbm>>, %arg5: memref<16384xf32, #tpu.memory_space<hbm>>, %arg6: memref<128x200xi32, #tpu.memory_space<vmem>>, %arg7: memref<128x200xi32, #tpu.memory_space<vmem>>, %arg8: memref<512xf32, #tpu.memory_space<vmem>>, %arg9: memref<512xf32, #tpu.memory_space<vmem>>, %arg10: memref<16xf32, #tpu.memory_space<vmem>>, %arg11: memref<!tpu.dma_semaphore, #tpu.memory_space<semaphore_mem>>, %arg12: memref<!tpu.dma_semaphore, #tpu.memory_space<semaphore_mem>>) attributes {dimension_semantics = [#tpu.dimension_semantics<core_parallel>, #tpu.dimension_semantics<subcore_parallel>], iteration_bounds = array<i64: 2, 16>, scalar_prefetch = 0 : i64, scratch_operands = 7 : i64, tpu.core_type = #tpu.core_type<sc_vector_subcore>, window_params = [{transform_indices = #map}, {transform_indices = #map1}, {transform_indices = #map1}, {transform_indices = #map1}]} {
    %mul3A = arith.constant 2 : i32
    %mul3A_0 = arith.muli %arg1, %mul3A : i32
    %add3A = arith.addi %mul3A_0, %arg0 : i32
    %mul3A_1 = arith.constant 512 : i32
    %mul3A_2 = arith.muli %add3A, %mul3A_1 : i32
    "tpu.region"() ({
      %run_scoped3A = tpu.sem_alloc : memref<!tpu.dma_semaphore, #tpu.memory_space<semaphore_mem>>
      tpu.enqueue_dma source(%arg4 : memref<16xf32, #tpu.memory_space<hbm>>) target(%arg10 : memref<16xf32, #tpu.memory_space<vmem>>) target_semaphore(%run_scoped3A : memref<!tpu.dma_semaphore, #tpu.memory_space<semaphore_mem>>)
      tpu.wait_dma2 semaphore(%run_scoped3A : memref<!tpu.dma_semaphore, #tpu.memory_space<semaphore_mem>>) src(%arg4 : memref<16xf32, #tpu.memory_space<hbm>>) dst(%arg10 : memref<16xf32, #tpu.memory_space<vmem>>)
      tpu.yield
    }) : () -> ()
    "tpu.region"() ({
      %run_scoped3A = tpu.sem_alloc : memref<!tpu.dma_semaphore, #tpu.memory_space<semaphore_mem>>
      %dma_start3A_83 = tpu.memref_slice %arg3[%mul3A_2] : memref<16384xf32, #tpu.memory_space<hbm>> -> memref<512xf32, #tpu.memory_space<hbm>>
      %dma_start3A_84 = tpu.memref_slice %arg3[%mul3A_2] : memref<16384xf32, #tpu.memory_space<hbm>> -> memref<512xf32, #tpu.memory_space<hbm>>
      tpu.enqueue_dma source(%dma_start3A_84 : memref<512xf32, #tpu.memory_space<hbm>>) target(%arg8 : memref<512xf32, #tpu.memory_space<vmem>>) target_semaphore(%run_scoped3A : memref<!tpu.dma_semaphore, #tpu.memory_space<semaphore_mem>>)
      %dma_wait3A_85 = tpu.memref_slice %arg3[%mul3A_2] : memref<16384xf32, #tpu.memory_space<hbm>> -> memref<512xf32, #tpu.memory_space<hbm>>
      %dma_wait3A_86 = tpu.memref_slice %arg3[%mul3A_2] : memref<16384xf32, #tpu.memory_space<hbm>> -> memref<512xf32, #tpu.memory_space<hbm>>
      tpu.wait_dma2 semaphore(%run_scoped3A : memref<!tpu.dma_semaphore, #tpu.memory_space<semaphore_mem>>) src(%dma_wait3A_86 : memref<512xf32, #tpu.memory_space<hbm>>) dst(%arg8 : memref<512xf32, #tpu.memory_space<vmem>>)
      tpu.yield
    }) : () -> ()
    %get3A = arith.constant 0 : index
    %get3A_3 = tpu.vector_load %arg10[%get3A] {strides = array<i32>} : memref<16xf32, #tpu.memory_space<vmem>>, vector<16xf32>,
    %get3A_4 = vector.shape_cast %get3A_3 : vector<16xf32> to vector<16xf32>
    %iota3A = tpu.iota {dimensions = array<i32: 0>} : vector<16xi32>
    %ge3A = arith.constant 8 : i32
    %ge3A_5 = vector.broadcast %ge3A : i32 to vector<16xi32>
    %ge3A_6 = arith.cmpi sge, %iota3A, %ge3A_5 : vector<16xi32>
    %xor3A = arith.constant 8 : i32
    %xor3A_7 = vector.broadcast %xor3A : i32 to vector<16xi32>
    %xor3A_8 = arith.xori %iota3A, %xor3A_7 : vector<16xi32>
    %xor3A_9 = arith.constant 4 : i32
    %xor3A_10 = vector.broadcast %xor3A_9 : i32 to vector<16xi32>
    %xor3A_11 = arith.xori %iota3A, %xor3A_10 : vector<16xi32>
    %xor3A_12 = arith.constant 2 : i32
    %xor3A_13 = vector.broadcast %xor3A_12 : i32 to vector<16xi32>
    %xor3A_14 = arith.xori %iota3A, %xor3A_13 : vector<16xi32>
    %xor3A_15 = arith.constant 1 : i32
    %xor3A_16 = vector.broadcast %xor3A_15 : i32 to vector<16xi32>
    %xor3A_17 = arith.xori %iota3A, %xor3A_16 : vector<16xi32>
    %add3A_18 = arith.constant 0 : i32
    %add3A_19 = arith.addi %mul3A_2, %add3A_18 : i32
    %dma_start3A = arith.constant 0 : i32
    %dma_start3A_20 = tpu.memref_slice %arg2[%add3A_19, %dma_start3A] : memref<16384x200xi32, #tpu.memory_space<hbm>> -> memref<128x200xi32, #tpu.memory_space<hbm>>
    %dma_start3A_21 = arith.constant 0 : i32
    %dma_start3A_22 = tpu.memref_slice %arg2[%add3A_19, %dma_start3A_21] : memref<16384x200xi32, #tpu.memory_space<hbm>> -> memref<128x200xi32, #tpu.memory_space<hbm>>
    tpu.enqueue_dma source(%dma_start3A_22 : memref<128x200xi32, #tpu.memory_space<hbm>>) target(%arg6 : memref<128x200xi32, #tpu.memory_space<vmem>>) target_semaphore(%arg11 : memref<!tpu.dma_semaphore, #tpu.memory_space<semaphore_mem>>)
    %dma_wait3A = arith.constant 0 : i32
    %dma_wait3A_23 = tpu.memref_slice %arg2[%add3A_19, %dma_wait3A] : memref<16384x200xi32, #tpu.memory_space<hbm>> -> memref<128x200xi32, #tpu.memory_space<hbm>>
    %dma_wait3A_24 = arith.constant 0 : i32
    %dma_wait3A_25 = tpu.memref_slice %arg2[%add3A_19, %dma_wait3A_24] : memref<16384x200xi32, #tpu.memory_space<hbm>> -> memref<128x200xi32, #tpu.memory_space<hbm>>
    tpu.wait_dma2 semaphore(%arg11 : memref<!tpu.dma_semaphore, #tpu.memory_space<semaphore_mem>>) src(%dma_wait3A_25 : memref<128x200xi32, #tpu.memory_space<hbm>>) dst(%arg6 : memref<128x200xi32, #tpu.memory_space<vmem>>)
    %add3A_26 = arith.constant 128 : i32
    %add3A_27 = arith.addi %mul3A_2, %add3A_26 : i32
    %dma_start3A_28 = arith.constant 0 : i32
    %dma_start3A_29 = tpu.memref_slice %arg2[%add3A_27, %dma_start3A_28] : memref<16384x200xi32, #tpu.memory_space<hbm>> -> memref<128x200xi32, #tpu.memory_space<hbm>>
    %dma_start3A_30 = arith.constant 0 : i32
    %dma_start3A_31 = tpu.memref_slice %arg2[%add3A_27, %dma_start3A_30] : memref<16384x200xi32, #tpu.memory_space<hbm>> -> memref<128x200xi32, #tpu.memory_space<hbm>>
    tpu.enqueue_dma source(%dma_start3A_31 : memref<128x200xi32, #tpu.memory_space<hbm>>) target(%arg7 : memref<128x200xi32, #tpu.memory_space<vmem>>) target_semaphore(%arg12 : memref<!tpu.dma_semaphore, #tpu.memory_space<semaphore_mem>>)
    %scan3A = arith.constant 0 : i32
    %scan3A_32 = arith.constant 0 : i32
    %scan3A_33 = arith.constant 8 : i32
    %scan3A_34 = arith.addi %scan3A_32, %scan3A_33 : i32
    %scan3A_35 = arith.constant 1 : i32
    %scan3A_36 = scf.for %scan3A_83 = %scan3A_32 to %scan3A_34 step %scan3A_35 iter_args(%scan3A_84 = %scan3A) -> (i32)  : i32 {
      %broadcast_in_dim3A = arith.constant 0.000000e+00 : f32
      %broadcast_in_dim3A_85 = vector.broadcast %broadcast_in_dim3A : f32 to vector<16xf32>
      %scan3A_86 = arith.constant 0 : i32
      %scan3A_87 = arith.constant 16 : i32
      %scan3A_88 = arith.addi %scan3A_86, %scan3A_87 : i32
      %scan3A_89 = arith.constant 1 : i32
      %scan3A_90 = scf.for %scan3A_104 = %scan3A_86 to %scan3A_88 step %scan3A_89 iter_args(%scan3A_105 = %broadcast_in_dim3A_85) -> (vector<16xf32>)  : i32 {
        %mul3A_106 = arith.constant 16 : i32
        %mul3A_107 = arith.muli %scan3A_83, %mul3A_106 : i32
        %add3A_108 = arith.addi %mul3A_107, %scan3A_104 : i32
        %broadcast_in_dim3A_109 = arith.constant 0.000000e+00 : f32
        %broadcast_in_dim3A_110 = vector.broadcast %broadcast_in_dim3A_109 : f32 to vector<16xf32>
        %scan3A_111 = arith.constant 0 : i32
        %scan3A_112 = arith.constant 3 : i32
        %scan3A_113 = arith.addi %scan3A_111, %scan3A_112 : i32
        %scan3A_114 = arith.constant 1 : i32
        %scan3A_115 = scf.for %scan3A_178 = %scan3A_111 to %scan3A_113 step %scan3A_114 iter_args(%scan3A_179 = %broadcast_in_dim3A_110) -> (vector<16xf32>)  : i32 {
          %mul3A_180 = arith.constant 64 : i32
          %mul3A_181 = arith.muli %scan3A_178, %mul3A_180 : i32
          %add3A_182 = arith.constant 0 : i32
          %add3A_183 = arith.addi %mul3A_181, %add3A_182 : i32
          %get3A_184 = arith.index_cast %add3A_108 : i32 to index
          %get3A_185 = arith.index_cast %add3A_183 : i32 to index
          %get3A_186 = tpu.vector_load %arg6[%get3A_184, %get3A_185] {strides = array<i32>} : memref<128x200xi32, #tpu.memory_space<vmem>>, vector<1x16xi32>,
          %get3A_187 = vector.shape_cast %get3A_186 : vector<1x16xi32> to vector<16xi32>
          %and3A_188 = arith.constant 15 : i32
          %and3A_189 = vector.broadcast %and3A_188 : i32 to vector<16xi32>
          %and3A_190 = arith.andi %get3A_187, %and3A_189 : vector<16xi32>
          %lt3A_191 = arith.constant 0 : i32
          %lt3A_192 = vector.broadcast %lt3A_191 : i32 to vector<16xi32>
          %lt3A_193 = arith.cmpi slt, %and3A_190, %lt3A_192 : vector<16xi32>
          %add3A_194 = arith.constant 16 : i32
          %add3A_195 = vector.broadcast %add3A_194 : i32 to vector<16xi32>
          %add3A_196 = arith.addi %and3A_190, %add3A_195 : vector<16xi32>
          %select_n3A_197 = arith.select %lt3A_193, %add3A_196, %and3A_190 : vector<16xi1>, vector<16xi32>
          %reshape3A_198 = vector.shape_cast %select_n3A_197 : vector<16xi32> to vector<16x1xi32>
          %gather3A_199 = vector.shape_cast %reshape3A_198 : vector<16x1xi32> to vector<16xi32>
          %gather3A_200 = tpu.dynamic_gather %get3A_4[%gather3A_199] in [0] : vector<16xf32>, vector<16xi32> -> vector<16xf32>
          %add3A_201 = arith.addf %scan3A_179, %gather3A_200 : vector<16xf32>
          %add3A_202 = arith.constant 16 : i32
          %add3A_203 = arith.addi %mul3A_181, %add3A_202 : i32
          %get3A_204 = arith.index_cast %add3A_108 : i32 to index
          %get3A_205 = arith.index_cast %add3A_203 : i32 to index
          %get3A_206 = tpu.vector_load %arg6[%get3A_204, %get3A_205] {strides = array<i32>} : memref<128x200xi32, #tpu.memory_space<vmem>>, vector<1x16xi32>,
          %get3A_207 = vector.shape_cast %get3A_206 : vector<1x16xi32> to vector<16xi32>
          %and3A_208 = arith.constant 15 : i32
          %and3A_209 = vector.broadcast %and3A_208 : i32 to vector<16xi32>
          %and3A_210 = arith.andi %get3A_207, %and3A_209 : vector<16xi32>
          %lt3A_211 = arith.constant 0 : i32
          %lt3A_212 = vector.broadcast %lt3A_211 : i32 to vector<16xi32>
          %lt3A_213 = arith.cmpi slt, %and3A_210, %lt3A_212 : vector<16xi32>
          %add3A_214 = arith.constant 16 : i32
          %add3A_215 = vector.broadcast %add3A_214 : i32 to vector<16xi32>
          %add3A_216 = arith.addi %and3A_210, %add3A_215 : vector<16xi32>
          %select_n3A_217 = arith.select %lt3A_213, %add3A_216, %and3A_210 : vector<16xi1>, vector<16xi32>
          %reshape3A_218 = vector.shape_cast %select_n3A_217 : vector<16xi32> to vector<16x1xi32>
          %gather3A_219 = vector.shape_cast %reshape3A_218 : vector<16x1xi32> to vector<16xi32>
          %gather3A_220 = tpu.dynamic_gather %get3A_4[%gather3A_219] in [0] : vector<16xf32>, vector<16xi32> -> vector<16xf32>
          %add3A_221 = arith.addf %add3A_201, %gather3A_220 : vector<16xf32>
          %add3A_222 = arith.constant 32 : i32
          %add3A_223 = arith.addi %mul3A_181, %add3A_222 : i32
          %get3A_224 = arith.index_cast %add3A_108 : i32 to index
          %get3A_225 = arith.index_cast %add3A_223 : i32 to index
          %get3A_226 = tpu.vector_load %arg6[%get3A_224, %get3A_225] {strides = array<i32>} : memref<128x200xi32, #tpu.memory_space<vmem>>, vector<1x16xi32>,
          %get3A_227 = vector.shape_cast %get3A_226 : vector<1x16xi32> to vector<16xi32>
          %and3A_228 = arith.constant 15 : i32
          %and3A_229 = vector.broadcast %and3A_228 : i32 to vector<16xi32>
          %and3A_230 = arith.andi %get3A_227, %and3A_229 : vector<16xi32>
          %lt3A_231 = arith.constant 0 : i32
          %lt3A_232 = vector.broadcast %lt3A_231 : i32 to vector<16xi32>
          %lt3A_233 = arith.cmpi slt, %and3A_230, %lt3A_232 : vector<16xi32>
          %add3A_234 = arith.constant 16 : i32
          %add3A_235 = vector.broadcast %add3A_234 : i32 to vector<16xi32>
          %add3A_236 = arith.addi %and3A_230, %add3A_235 : vector<16xi32>
          %select_n3A_237 = arith.select %lt3A_233, %add3A_236, %and3A_230 : vector<16xi1>, vector<16xi32>
          %reshape3A_238 = vector.shape_cast %select_n3A_237 : vector<16xi32> to vector<16x1xi32>
          %gather3A_239 = vector.shape_cast %reshape3A_238 : vector<16x1xi32> to vector<16xi32>
          %gather3A_240 = tpu.dynamic_gather %get3A_4[%gather3A_239] in [0] : vector<16xf32>, vector<16xi32> -> vector<16xf32>
          %add3A_241 = arith.addf %add3A_221, %gather3A_240 : vector<16xf32>
          %add3A_242 = arith.constant 48 : i32
          %add3A_243 = arith.addi %mul3A_181, %add3A_242 : i32
          %get3A_244 = arith.index_cast %add3A_108 : i32 to index
          %get3A_245 = arith.index_cast %add3A_243 : i32 to index
          %get3A_246 = tpu.vector_load %arg6[%get3A_244, %get3A_245] {strides = array<i32>} : memref<128x200xi32, #tpu.memory_space<vmem>>, vector<1x16xi32>,
          %get3A_247 = vector.shape_cast %get3A_246 : vector<1x16xi32> to vector<16xi32>
          %and3A_248 = arith.constant 15 : i32
          %and3A_249 = vector.broadcast %and3A_248 : i32 to vector<16xi32>
          %and3A_250 = arith.andi %get3A_247, %and3A_249 : vector<16xi32>
          %lt3A_251 = arith.constant 0 : i32
          %lt3A_252 = vector.broadcast %lt3A_251 : i32 to vector<16xi32>
          %lt3A_253 = arith.cmpi slt, %and3A_250, %lt3A_252 : vector<16xi32>
          %add3A_254 = arith.constant 16 : i32
          %add3A_255 = vector.broadcast %add3A_254 : i32 to vector<16xi32>
          %add3A_256 = arith.addi %and3A_250, %add3A_255 : vector<16xi32>
          %select_n3A_257 = arith.select %lt3A_253, %add3A_256, %and3A_250 : vector<16xi1>, vector<16xi32>
          %reshape3A_258 = vector.shape_cast %select_n3A_257 : vector<16xi32> to vector<16x1xi32>
          %gather3A_259 = vector.shape_cast %reshape3A_258 : vector<16x1xi32> to vector<16xi32>
          %gather3A_260 = tpu.dynamic_gather %get3A_4[%gather3A_259] in [0] : vector<16xf32>, vector<16xi32> -> vector<16xf32>
          %add3A_261 = arith.addf %add3A_241, %gather3A_260 : vector<16xf32>
          scf.yield %add3A_261 : vector<16xf32>
        }
        %scan3A_116 = arith.constant 3 : i32
        %get3A_117 = arith.index_cast %add3A_108 : i32 to index
        %get3A_118 = arith.constant 184 : index
        %get3A_119 = tpu.vector_load %arg6[%get3A_117, %get3A_118] {strides = array<i32>} : memref<128x200xi32, #tpu.memory_space<vmem>>, vector<1x16xi32>,
        %get3A_120 = vector.shape_cast %get3A_119 : vector<1x16xi32> to vector<16xi32>
        %and3A = arith.constant 15 : i32
        %and3A_121 = vector.broadcast %and3A : i32 to vector<16xi32>
        %and3A_122 = arith.andi %get3A_120, %and3A_121 : vector<16xi32>
        %lt3A = arith.constant 0 : i32
        %lt3A_123 = vector.broadcast %lt3A : i32 to vector<16xi32>
        %lt3A_124 = arith.cmpi slt, %and3A_122, %lt3A_123 : vector<16xi32>
        %add3A_125 = arith.constant 16 : i32
        %add3A_126 = vector.broadcast %add3A_125 : i32 to vector<16xi32>
        %add3A_127 = arith.addi %and3A_122, %add3A_126 : vector<16xi32>
        %select_n3A = arith.select %lt3A_124, %add3A_127, %and3A_122 : vector<16xi1>, vector<16xi32>
        %reshape3A = vector.shape_cast %select_n3A : vector<16xi32> to vector<16x1xi32>
        %gather3A = vector.shape_cast %reshape3A : vector<16x1xi32> to vector<16xi32>
        %gather3A_128 = tpu.dynamic_gather %get3A_4[%gather3A] in [0] : vector<16xf32>, vector<16xi32> -> vector<16xf32>
        %jit3A = arith.constant 0.000000e+00 : f32
        %broadcast_in_dim3A_129 = vector.broadcast %jit3A : f32 to vector<16xf32>
        %select_n3A_130 = arith.select %ge3A_6, %gather3A_128, %broadcast_in_dim3A_129 : vector<16xi1>, vector<16xf32>
        %add3A_131 = arith.addf %scan3A_115, %select_n3A_130 : vector<16xf32>
        %lt3A_132 = arith.constant 0 : i32
        %lt3A_133 = vector.broadcast %lt3A_132 : i32 to vector<16xi32>
        %lt3A_134 = arith.cmpi slt, %xor3A_8, %lt3A_133 : vector<16xi32>
        %add3A_135 = arith.constant 16 : i32
        %add3A_136 = vector.broadcast %add3A_135 : i32 to vector<16xi32>
        %add3A_137 = arith.addi %xor3A_8, %add3A_136 : vector<16xi32>
        %select_n3A_138 = arith.select %lt3A_134, %add3A_137, %xor3A_8 : vector<16xi1>, vector<16xi32>
        %reshape3A_139 = vector.shape_cast %select_n3A_138 : vector<16xi32> to vector<16x1xi32>
        %gather3A_140 = vector.shape_cast %reshape3A_139 : vector<16x1xi32> to vector<16xi32>
        %gather3A_141 = tpu.dynamic_gather %add3A_131[%gather3A_140] in [0] : vector<16xf32>, vector<16xi32> -> vector<16xf32>
        %add3A_142 = arith.addf %add3A_131, %gather3A_141 : vector<16xf32>
        %lt3A_143 = arith.constant 0 : i32
        %lt3A_144 = vector.broadcast %lt3A_143 : i32 to vector<16xi32>
        %lt3A_145 = arith.cmpi slt, %xor3A_11, %lt3A_144 : vector<16xi32>
        %add3A_146 = arith.constant 16 : i32
        %add3A_147 = vector.broadcast %add3A_146 : i32 to vector<16xi32>
        %add3A_148 = arith.addi %xor3A_11, %add3A_147 : vector<16xi32>
        %select_n3A_149 = arith.select %lt3A_145, %add3A_148, %xor3A_11 : vector<16xi1>, vector<16xi32>
        %reshape3A_150 = vector.shape_cast %select_n3A_149 : vector<16xi32> to vector<16x1xi32>
        %gather3A_151 = vector.shape_cast %reshape3A_150 : vector<16x1xi32> to vector<16xi32>
        %gather3A_152 = tpu.dynamic_gather %add3A_142[%gather3A_151] in [0] : vector<16xf32>, vector<16xi32> -> vector<16xf32>
        %add3A_153 = arith.addf %add3A_142, %gather3A_152 : vector<16xf32>
        %lt3A_154 = arith.constant 0 : i32
        %lt3A_155 = vector.broadcast %lt3A_154 : i32 to vector<16xi32>
        %lt3A_156 = arith.cmpi slt, %xor3A_14, %lt3A_155 : vector<16xi32>
        %add3A_157 = arith.constant 16 : i32
        %add3A_158 = vector.broadcast %add3A_157 : i32 to vector<16xi32>
        %add3A_159 = arith.addi %xor3A_14, %add3A_158 : vector<16xi32>
        %select_n3A_160 = arith.select %lt3A_156, %add3A_159, %xor3A_14 : vector<16xi1>, vector<16xi32>
        %reshape3A_161 = vector.shape_cast %select_n3A_160 : vector<16xi32> to vector<16x1xi32>
        %gather3A_162 = vector.shape_cast %reshape3A_161 : vector<16x1xi32> to vector<16xi32>
        %gather3A_163 = tpu.dynamic_gather %add3A_153[%gather3A_162] in [0] : vector<16xf32>, vector<16xi32> -> vector<16xf32>
        %add3A_164 = arith.addf %add3A_153, %gather3A_163 : vector<16xf32>
        %lt3A_165 = arith.constant 0 : i32
        %lt3A_166 = vector.broadcast %lt3A_165 : i32 to vector<16xi32>
        %lt3A_167 = arith.cmpi slt, %xor3A_17, %lt3A_166 : vector<16xi32>
        %add3A_168 = arith.constant 16 : i32
        %add3A_169 = vector.broadcast %add3A_168 : i32 to vector<16xi32>
        %add3A_170 = arith.addi %xor3A_17, %add3A_169 : vector<16xi32>
        %select_n3A_171 = arith.select %lt3A_167, %add3A_170, %xor3A_17 : vector<16xi1>, vector<16xi32>
        %reshape3A_172 = vector.shape_cast %select_n3A_171 : vector<16xi32> to vector<16x1xi32>
        %gather3A_173 = vector.shape_cast %reshape3A_172 : vector<16x1xi32> to vector<16xi32>
        %gather3A_174 = tpu.dynamic_gather %add3A_164[%gather3A_173] in [0] : vector<16xf32>, vector<16xi32> -> vector<16xf32>
        %add3A_175 = arith.addf %add3A_164, %gather3A_174 : vector<16xf32>
        %eq3A = vector.broadcast %scan3A_104 : i32 to vector<16xi32>
        %eq3A_176 = arith.cmpi eq, %iota3A, %eq3A : vector<16xi32>
        %select_n3A_177 = arith.select %eq3A_176, %add3A_175, %scan3A_105 : vector<16xi1>, vector<16xf32>
        scf.yield %select_n3A_177 : vector<16xf32>
      }
      %scan3A_91 = arith.constant 16 : i32
      %mul3A_92 = arith.constant 16 : i32
      %mul3A_93 = arith.muli %scan3A_83, %mul3A_92 : i32
      %add3A_94 = arith.constant 0 : i32
      %add3A_95 = arith.addi %add3A_94, %mul3A_93 : i32
      %get3A_96 = arith.index_cast %add3A_95 : i32 to index
      %get3A_97 = tpu.vector_load %arg8[%get3A_96] {strides = array<i32>} : memref<512xf32, #tpu.memory_space<vmem>>, vector<16xf32>,
      %get3A_98 = vector.shape_cast %get3A_97 : vector<16xf32> to vector<16xf32>
      %add3A_99 = arith.addf %scan3A_90, %get3A_98 : vector<16xf32>
      %swap3A = arith.index_cast %add3A_95 : i32 to index
      %swap3A_100 = tpu.vector_load %arg9[%swap3A] {strides = array<i32>} : memref<512xf32, #tpu.memory_space<vmem>>, vector<16xf32>,
      %swap3A_101 = vector.shape_cast %swap3A_100 : vector<16xf32> to vector<16xf32>
      %swap3A_102 = vector.shape_cast %add3A_99 : vector<16xf32> to vector<16xf32>
      tpu.vector_store %arg9[%swap3A], %swap3A_102 {strides = array<i32>} : memref<512xf32, #tpu.memory_space<vmem>>, vector<16xf32>,
      %scan3A_103 = arith.constant 0 : i32
      scf.yield %scan3A_103 : i32
    }
    %scan3A_37 = arith.constant 8 : i32
    %dma_wait3A_38 = arith.constant 0 : i32
    %dma_wait3A_39 = tpu.memref_slice %arg2[%add3A_27, %dma_wait3A_38] : memref<16384x200xi32, #tpu.memory_space<hbm>> -> memref<128x200xi32, #tpu.memory_space<hbm>>
    %dma_wait3A_40 = arith.constant 0 : i32
    %dma_wait3A_41 = tpu.memref_slice %arg2[%add3A_27, %dma_wait3A_40] : memref<16384x200xi32, #tpu.memory_space<hbm>> -> memref<128x200xi32, #tpu.memory_space<hbm>>
    tpu.wait_dma2 semaphore(%arg12 : memref<!tpu.dma_semaphore, #tpu.memory_space<semaphore_mem>>) src(%dma_wait3A_41 : memref<128x200xi32, #tpu.memory_space<hbm>>) dst(%arg7 : memref<128x200xi32, #tpu.memory_space<vmem>>)
    %add3A_42 = arith.constant 256 : i32
    %add3A_43 = arith.addi %mul3A_2, %add3A_42 : i32
    %dma_start3A_44 = arith.constant 0 : i32
    %dma_start3A_45 = tpu.memref_slice %arg2[%add3A_43, %dma_start3A_44] : memref<16384x200xi32, #tpu.memory_space<hbm>> -> memref<128x200xi32, #tpu.memory_space<hbm>>
    %dma_start3A_46 = arith.constant 0 : i32
    %dma_start3A_47 = tpu.memref_slice %arg2[%add3A_43, %dma_start3A_46] : memref<16384x200xi32, #tpu.memory_space<hbm>> -> memref<128x200xi32, #tpu.memory_space<hbm>>
    tpu.enqueue_dma source(%dma_start3A_47 : memref<128x200xi32, #tpu.memory_space<hbm>>) target(%arg6 : memref<128x200xi32, #tpu.memory_space<vmem>>) target_semaphore(%arg11 : memref<!tpu.dma_semaphore, #tpu.memory_space<semaphore_mem>>)
    %scan3A_48 = arith.constant 0 : i32
    %scan3A_49 = arith.constant 0 : i32
    %scan3A_50 = arith.constant 8 : i32
    %scan3A_51 = arith.addi %scan3A_49, %scan3A_50 : i32
    %scan3A_52 = arith.constant 1 : i32
    %scan3A_53 = scf.for %scan3A_83 = %scan3A_49 to %scan3A_51 step %scan3A_52 iter_args(%scan3A_84 = %scan3A_48) -> (i32)  : i32 {
      %broadcast_in_dim3A = arith.constant 0.000000e+00 : f32
      %broadcast_in_dim3A_85 = vector.broadcast %broadcast_in_dim3A : f32 to vector<16xf32>
      %scan3A_86 = arith.constant 0 : i32
      %scan3A_87 = arith.constant 16 : i32
      %scan3A_88 = arith.addi %scan3A_86, %scan3A_87 : i32
      %scan3A_89 = arith.constant 1 : i32
      %scan3A_90 = scf.for %scan3A_104 = %scan3A_86 to %scan3A_88 step %scan3A_89 iter_args(%scan3A_105 = %broadcast_in_dim3A_85) -> (vector<16xf32>)  : i32 {
        %mul3A_106 = arith.constant 16 : i32
        %mul3A_107 = arith.muli %scan3A_83, %mul3A_106 : i32
        %add3A_108 = arith.addi %mul3A_107, %scan3A_104 : i32
        %broadcast_in_dim3A_109 = arith.constant 0.000000e+00 : f32
        %broadcast_in_dim3A_110 = vector.broadcast %broadcast_in_dim3A_109 : f32 to vector<16xf32>
        %scan3A_111 = arith.constant 0 : i32
        %scan3A_112 = arith.constant 3 : i32
        %scan3A_113 = arith.addi %scan3A_111, %scan3A_112 : i32
        %scan3A_114 = arith.constant 1 : i32
        %scan3A_115 = scf.for %scan3A_178 = %scan3A_111 to %scan3A_113 step %scan3A_114 iter_args(%scan3A_179 = %broadcast_in_dim3A_110) -> (vector<16xf32>)  : i32 {
          %mul3A_180 = arith.constant 64 : i32
          %mul3A_181 = arith.muli %scan3A_178, %mul3A_180 : i32
          %add3A_182 = arith.constant 0 : i32
          %add3A_183 = arith.addi %mul3A_181, %add3A_182 : i32
          %get3A_184 = arith.index_cast %add3A_108 : i32 to index
          %get3A_185 = arith.index_cast %add3A_183 : i32 to index
          %get3A_186 = tpu.vector_load %arg7[%get3A_184, %get3A_185] {strides = array<i32>} : memref<128x200xi32, #tpu.memory_space<vmem>>, vector<1x16xi32>,
          %get3A_187 = vector.shape_cast %get3A_186 : vector<1x16xi32> to vector<16xi32>
          %and3A_188 = arith.constant 15 : i32
          %and3A_189 = vector.broadcast %and3A_188 : i32 to vector<16xi32>
          %and3A_190 = arith.andi %get3A_187, %and3A_189 : vector<16xi32>
          %lt3A_191 = arith.constant 0 : i32
          %lt3A_192 = vector.broadcast %lt3A_191 : i32 to vector<16xi32>
          %lt3A_193 = arith.cmpi slt, %and3A_190, %lt3A_192 : vector<16xi32>
          %add3A_194 = arith.constant 16 : i32
          %add3A_195 = vector.broadcast %add3A_194 : i32 to vector<16xi32>
          %add3A_196 = arith.addi %and3A_190, %add3A_195 : vector<16xi32>
          %select_n3A_197 = arith.select %lt3A_193, %add3A_196, %and3A_190 : vector<16xi1>, vector<16xi32>
          %reshape3A_198 = vector.shape_cast %select_n3A_197 : vector<16xi32> to vector<16x1xi32>
          %gather3A_199 = vector.shape_cast %reshape3A_198 : vector<16x1xi32> to vector<16xi32>
          %gather3A_200 = tpu.dynamic_gather %get3A_4[%gather3A_199] in [0] : vector<16xf32>, vector<16xi32> -> vector<16xf32>
          %add3A_201 = arith.addf %scan3A_179, %gather3A_200 : vector<16xf32>
          %add3A_202 = arith.constant 16 : i32
          %add3A_203 = arith.addi %mul3A_181, %add3A_202 : i32
          %get3A_204 = arith.index_cast %add3A_108 : i32 to index
          %get3A_205 = arith.index_cast %add3A_203 : i32 to index
          %get3A_206 = tpu.vector_load %arg7[%get3A_204, %get3A_205] {strides = array<i32>} : memref<128x200xi32, #tpu.memory_space<vmem>>, vector<1x16xi32>,
          %get3A_207 = vector.shape_cast %get3A_206 : vector<1x16xi32> to vector<16xi32>
          %and3A_208 = arith.constant 15 : i32
          %and3A_209 = vector.broadcast %and3A_208 : i32 to vector<16xi32>
          %and3A_210 = arith.andi %get3A_207, %and3A_209 : vector<16xi32>
          %lt3A_211 = arith.constant 0 : i32
          %lt3A_212 = vector.broadcast %lt3A_211 : i32 to vector<16xi32>
          %lt3A_213 = arith.cmpi slt, %and3A_210, %lt3A_212 : vector<16xi32>
          %add3A_214 = arith.constant 16 : i32
          %add3A_215 = vector.broadcast %add3A_214 : i32 to vector<16xi32>
          %add3A_216 = arith.addi %and3A_210, %add3A_215 : vector<16xi32>
          %select_n3A_217 = arith.select %lt3A_213, %add3A_216, %and3A_210 : vector<16xi1>, vector<16xi32>
          %reshape3A_218 = vector.shape_cast %select_n3A_217 : vector<16xi32> to vector<16x1xi32>
          %gather3A_219 = vector.shape_cast %reshape3A_218 : vector<16x1xi32> to vector<16xi32>
          %gather3A_220 = tpu.dynamic_gather %get3A_4[%gather3A_219] in [0] : vector<16xf32>, vector<16xi32> -> vector<16xf32>
          %add3A_221 = arith.addf %add3A_201, %gather3A_220 : vector<16xf32>
          %add3A_222 = arith.constant 32 : i32
          %add3A_223 = arith.addi %mul3A_181, %add3A_222 : i32
          %get3A_224 = arith.index_cast %add3A_108 : i32 to index
          %get3A_225 = arith.index_cast %add3A_223 : i32 to index
          %get3A_226 = tpu.vector_load %arg7[%get3A_224, %get3A_225] {strides = array<i32>} : memref<128x200xi32, #tpu.memory_space<vmem>>, vector<1x16xi32>,
          %get3A_227 = vector.shape_cast %get3A_226 : vector<1x16xi32> to vector<16xi32>
          %and3A_228 = arith.constant 15 : i32
          %and3A_229 = vector.broadcast %and3A_228 : i32 to vector<16xi32>
          %and3A_230 = arith.andi %get3A_227, %and3A_229 : vector<16xi32>
          %lt3A_231 = arith.constant 0 : i32
          %lt3A_232 = vector.broadcast %lt3A_231 : i32 to vector<16xi32>
          %lt3A_233 = arith.cmpi slt, %and3A_230, %lt3A_232 : vector<16xi32>
          %add3A_234 = arith.constant 16 : i32
          %add3A_235 = vector.broadcast %add3A_234 : i32 to vector<16xi32>
          %add3A_236 = arith.addi %and3A_230, %add3A_235 : vector<16xi32>
          %select_n3A_237 = arith.select %lt3A_233, %add3A_236, %and3A_230 : vector<16xi1>, vector<16xi32>
          %reshape3A_238 = vector.shape_cast %select_n3A_237 : vector<16xi32> to vector<16x1xi32>
          %gather3A_239 = vector.shape_cast %reshape3A_238 : vector<16x1xi32> to vector<16xi32>
          %gather3A_240 = tpu.dynamic_gather %get3A_4[%gather3A_239] in [0] : vector<16xf32>, vector<16xi32> -> vector<16xf32>
          %add3A_241 = arith.addf %add3A_221, %gather3A_240 : vector<16xf32>
          %add3A_242 = arith.constant 48 : i32
          %add3A_243 = arith.addi %mul3A_181, %add3A_242 : i32
          %get3A_244 = arith.index_cast %add3A_108 : i32 to index
          %get3A_245 = arith.index_cast %add3A_243 : i32 to index
          %get3A_246 = tpu.vector_load %arg7[%get3A_244, %get3A_245] {strides = array<i32>} : memref<128x200xi32, #tpu.memory_space<vmem>>, vector<1x16xi32>,
          %get3A_247 = vector.shape_cast %get3A_246 : vector<1x16xi32> to vector<16xi32>
          %and3A_248 = arith.constant 15 : i32
          %and3A_249 = vector.broadcast %and3A_248 : i32 to vector<16xi32>
          %and3A_250 = arith.andi %get3A_247, %and3A_249 : vector<16xi32>
          %lt3A_251 = arith.constant 0 : i32
          %lt3A_252 = vector.broadcast %lt3A_251 : i32 to vector<16xi32>
          %lt3A_253 = arith.cmpi slt, %and3A_250, %lt3A_252 : vector<16xi32>
          %add3A_254 = arith.constant 16 : i32
          %add3A_255 = vector.broadcast %add3A_254 : i32 to vector<16xi32>
          %add3A_256 = arith.addi %and3A_250, %add3A_255 : vector<16xi32>
          %select_n3A_257 = arith.select %lt3A_253, %add3A_256, %and3A_250 : vector<16xi1>, vector<16xi32>
          %reshape3A_258 = vector.shape_cast %select_n3A_257 : vector<16xi32> to vector<16x1xi32>
          %gather3A_259 = vector.shape_cast %reshape3A_258 : vector<16x1xi32> to vector<16xi32>
          %gather3A_260 = tpu.dynamic_gather %get3A_4[%gather3A_259] in [0] : vector<16xf32>, vector<16xi32> -> vector<16xf32>
          %add3A_261 = arith.addf %add3A_241, %gather3A_260 : vector<16xf32>
          scf.yield %add3A_261 : vector<16xf32>
        }
        %scan3A_116 = arith.constant 3 : i32
        %get3A_117 = arith.index_cast %add3A_108 : i32 to index
        %get3A_118 = arith.constant 184 : index
        %get3A_119 = tpu.vector_load %arg7[%get3A_117, %get3A_118] {strides = array<i32>} : memref<128x200xi32, #tpu.memory_space<vmem>>, vector<1x16xi32>,
        %get3A_120 = vector.shape_cast %get3A_119 : vector<1x16xi32> to vector<16xi32>
        %and3A = arith.constant 15 : i32
        %and3A_121 = vector.broadcast %and3A : i32 to vector<16xi32>
        %and3A_122 = arith.andi %get3A_120, %and3A_121 : vector<16xi32>
        %lt3A = arith.constant 0 : i32
        %lt3A_123 = vector.broadcast %lt3A : i32 to vector<16xi32>
        %lt3A_124 = arith.cmpi slt, %and3A_122, %lt3A_123 : vector<16xi32>
        %add3A_125 = arith.constant 16 : i32
        %add3A_126 = vector.broadcast %add3A_125 : i32 to vector<16xi32>
        %add3A_127 = arith.addi %and3A_122, %add3A_126 : vector<16xi32>
        %select_n3A = arith.select %lt3A_124, %add3A_127, %and3A_122 : vector<16xi1>, vector<16xi32>
        %reshape3A = vector.shape_cast %select_n3A : vector<16xi32> to vector<16x1xi32>
        %gather3A = vector.shape_cast %reshape3A : vector<16x1xi32> to vector<16xi32>
        %gather3A_128 = tpu.dynamic_gather %get3A_4[%gather3A] in [0] : vector<16xf32>, vector<16xi32> -> vector<16xf32>
        %jit3A = arith.constant 0.000000e+00 : f32
        %broadcast_in_dim3A_129 = vector.broadcast %jit3A : f32 to vector<16xf32>
        %select_n3A_130 = arith.select %ge3A_6, %gather3A_128, %broadcast_in_dim3A_129 : vector<16xi1>, vector<16xf32>
        %add3A_131 = arith.addf %scan3A_115, %select_n3A_130 : vector<16xf32>
        %lt3A_132 = arith.constant 0 : i32
        %lt3A_133 = vector.broadcast %lt3A_132 : i32 to vector<16xi32>
        %lt3A_134 = arith.cmpi slt, %xor3A_8, %lt3A_133 : vector<16xi32>
        %add3A_135 = arith.constant 16 : i32
        %add3A_136 = vector.broadcast %add3A_135 : i32 to vector<16xi32>
        %add3A_137 = arith.addi %xor3A_8, %add3A_136 : vector<16xi32>
        %select_n3A_138 = arith.select %lt3A_134, %add3A_137, %xor3A_8 : vector<16xi1>, vector<16xi32>
        %reshape3A_139 = vector.shape_cast %select_n3A_138 : vector<16xi32> to vector<16x1xi32>
        %gather3A_140 = vector.shape_cast %reshape3A_139 : vector<16x1xi32> to vector<16xi32>
        %gather3A_141 = tpu.dynamic_gather %add3A_131[%gather3A_140] in [0] : vector<16xf32>, vector<16xi32> -> vector<16xf32>
        %add3A_142 = arith.addf %add3A_131, %gather3A_141 : vector<16xf32>
        %lt3A_143 = arith.constant 0 : i32
        %lt3A_144 = vector.broadcast %lt3A_143 : i32 to vector<16xi32>
        %lt3A_145 = arith.cmpi slt, %xor3A_11, %lt3A_144 : vector<16xi32>
        %add3A_146 = arith.constant 16 : i32
        %add3A_147 = vector.broadcast %add3A_146 : i32 to vector<16xi32>
        %add3A_148 = arith.addi %xor3A_11, %add3A_147 : vector<16xi32>
        %select_n3A_149 = arith.select %lt3A_145, %add3A_148, %xor3A_11 : vector<16xi1>, vector<16xi32>
        %reshape3A_150 = vector.shape_cast %select_n3A_149 : vector<16xi32> to vector<16x1xi32>
        %gather3A_151 = vector.shape_cast %reshape3A_150 : vector<16x1xi32> to vector<16xi32>
        %gather3A_152 = tpu.dynamic_gather %add3A_142[%gather3A_151] in [0] : vector<16xf32>, vector<16xi32> -> vector<16xf32>
        %add3A_153 = arith.addf %add3A_142, %gather3A_152 : vector<16xf32>
        %lt3A_154 = arith.constant 0 : i32
        %lt3A_155 = vector.broadcast %lt3A_154 : i32 to vector<16xi32>
        %lt3A_156 = arith.cmpi slt, %xor3A_14, %lt3A_155 : vector<16xi32>
        %add3A_157 = arith.constant 16 : i32
        %add3A_158 = vector.broadcast %add3A_157 : i32 to vector<16xi32>
        %add3A_159 = arith.addi %xor3A_14, %add3A_158 : vector<16xi32>
        %select_n3A_160 = arith.select %lt3A_156, %add3A_159, %xor3A_14 : vector<16xi1>, vector<16xi32>
        %reshape3A_161 = vector.shape_cast %select_n3A_160 : vector<16xi32> to vector<16x1xi32>
        %gather3A_162 = vector.shape_cast %reshape3A_161 : vector<16x1xi32> to vector<16xi32>
        %gather3A_163 = tpu.dynamic_gather %add3A_153[%gather3A_162] in [0] : vector<16xf32>, vector<16xi32> -> vector<16xf32>
        %add3A_164 = arith.addf %add3A_153, %gather3A_163 : vector<16xf32>
        %lt3A_165 = arith.constant 0 : i32
        %lt3A_166 = vector.broadcast %lt3A_165 : i32 to vector<16xi32>
        %lt3A_167 = arith.cmpi slt, %xor3A_17, %lt3A_166 : vector<16xi32>
        %add3A_168 = arith.constant 16 : i32
        %add3A_169 = vector.broadcast %add3A_168 : i32 to vector<16xi32>
        %add3A_170 = arith.addi %xor3A_17, %add3A_169 : vector<16xi32>
        %select_n3A_171 = arith.select %lt3A_167, %add3A_170, %xor3A_17 : vector<16xi1>, vector<16xi32>
        %reshape3A_172 = vector.shape_cast %select_n3A_171 : vector<16xi32> to vector<16x1xi32>
        %gather3A_173 = vector.shape_cast %reshape3A_172 : vector<16x1xi32> to vector<16xi32>
        %gather3A_174 = tpu.dynamic_gather %add3A_164[%gather3A_173] in [0] : vector<16xf32>, vector<16xi32> -> vector<16xf32>
        %add3A_175 = arith.addf %add3A_164, %gather3A_174 : vector<16xf32>
        %eq3A = vector.broadcast %scan3A_104 : i32 to vector<16xi32>
        %eq3A_176 = arith.cmpi eq, %iota3A, %eq3A : vector<16xi32>
        %select_n3A_177 = arith.select %eq3A_176, %add3A_175, %scan3A_105 : vector<16xi1>, vector<16xf32>
        scf.yield %select_n3A_177 : vector<16xf32>
      }
      %scan3A_91 = arith.constant 16 : i32
      %mul3A_92 = arith.constant 16 : i32
      %mul3A_93 = arith.muli %scan3A_83, %mul3A_92 : i32
      %add3A_94 = arith.constant 128 : i32
      %add3A_95 = arith.addi %add3A_94, %mul3A_93 : i32
      %get3A_96 = arith.index_cast %add3A_95 : i32 to index
      %get3A_97 = tpu.vector_load %arg8[%get3A_96] {strides = array<i32>} : memref<512xf32, #tpu.memory_space<vmem>>, vector<16xf32>,
      %get3A_98 = vector.shape_cast %get3A_97 : vector<16xf32> to vector<16xf32>
      %add3A_99 = arith.addf %scan3A_90, %get3A_98 : vector<16xf32>
      %swap3A = arith.index_cast %add3A_95 : i32 to index
      %swap3A_100 = tpu.vector_load %arg9[%swap3A] {strides = array<i32>} : memref<512xf32, #tpu.memory_space<vmem>>, vector<16xf32>,
      %swap3A_101 = vector.shape_cast %swap3A_100 : vector<16xf32> to vector<16xf32>
      %swap3A_102 = vector.shape_cast %add3A_99 : vector<16xf32> to vector<16xf32>
      tpu.vector_store %arg9[%swap3A], %swap3A_102 {strides = array<i32>} : memref<512xf32, #tpu.memory_space<vmem>>, vector<16xf32>,
      %scan3A_103 = arith.constant 0 : i32
      scf.yield %scan3A_103 : i32
    }
    %scan3A_54 = arith.constant 8 : i32
    %dma_wait3A_55 = arith.constant 0 : i32
    %dma_wait3A_56 = tpu.memref_slice %arg2[%add3A_43, %dma_wait3A_55] : memref<16384x200xi32, #tpu.memory_space<hbm>> -> memref<128x200xi32, #tpu.memory_space<hbm>>
    %dma_wait3A_57 = arith.constant 0 : i32
    %dma_wait3A_58 = tpu.memref_slice %arg2[%add3A_43, %dma_wait3A_57] : memref<16384x200xi32, #tpu.memory_space<hbm>> -> memref<128x200xi32, #tpu.memory_space<hbm>>
    tpu.wait_dma2 semaphore(%arg11 : memref<!tpu.dma_semaphore, #tpu.memory_space<semaphore_mem>>) src(%dma_wait3A_58 : memref<128x200xi32, #tpu.memory_space<hbm>>) dst(%arg6 : memref<128x200xi32, #tpu.memory_space<vmem>>)
    %add3A_59 = arith.constant 384 : i32
    %add3A_60 = arith.addi %mul3A_2, %add3A_59 : i32
    %dma_start3A_61 = arith.constant 0 : i32
    %dma_start3A_62 = tpu.memref_slice %arg2[%add3A_60, %dma_start3A_61] : memref<16384x200xi32, #tpu.memory_space<hbm>> -> memref<128x200xi32, #tpu.memory_space<hbm>>
    %dma_start3A_63 = arith.constant 0 : i32
    %dma_start3A_64 = tpu.memref_slice %arg2[%add3A_60, %dma_start3A_63] : memref<16384x200xi32, #tpu.memory_space<hbm>> -> memref<128x200xi32, #tpu.memory_space<hbm>>
    tpu.enqueue_dma source(%dma_start3A_64 : memref<128x200xi32, #tpu.memory_space<hbm>>) target(%arg7 : memref<128x200xi32, #tpu.memory_space<vmem>>) target_semaphore(%arg12 : memref<!tpu.dma_semaphore, #tpu.memory_space<semaphore_mem>>)
    %scan3A_65 = arith.constant 0 : i32
    %scan3A_66 = arith.constant 0 : i32
    %scan3A_67 = arith.constant 8 : i32
    %scan3A_68 = arith.addi %scan3A_66, %scan3A_67 : i32
    %scan3A_69 = arith.constant 1 : i32
    %scan3A_70 = scf.for %scan3A_83 = %scan3A_66 to %scan3A_68 step %scan3A_69 iter_args(%scan3A_84 = %scan3A_65) -> (i32)  : i32 {
      %broadcast_in_dim3A = arith.constant 0.000000e+00 : f32
      %broadcast_in_dim3A_85 = vector.broadcast %broadcast_in_dim3A : f32 to vector<16xf32>
      %scan3A_86 = arith.constant 0 : i32
      %scan3A_87 = arith.constant 16 : i32
      %scan3A_88 = arith.addi %scan3A_86, %scan3A_87 : i32
      %scan3A_89 = arith.constant 1 : i32
      %scan3A_90 = scf.for %scan3A_104 = %scan3A_86 to %scan3A_88 step %scan3A_89 iter_args(%scan3A_105 = %broadcast_in_dim3A_85) -> (vector<16xf32>)  : i32 {
        %mul3A_106 = arith.constant 16 : i32
        %mul3A_107 = arith.muli %scan3A_83, %mul3A_106 : i32
        %add3A_108 = arith.addi %mul3A_107, %scan3A_104 : i32
        %broadcast_in_dim3A_109 = arith.constant 0.000000e+00 : f32
        %broadcast_in_dim3A_110 = vector.broadcast %broadcast_in_dim3A_109 : f32 to vector<16xf32>
        %scan3A_111 = arith.constant 0 : i32
        %scan3A_112 = arith.constant 3 : i32
        %scan3A_113 = arith.addi %scan3A_111, %scan3A_112 : i32
        %scan3A_114 = arith.constant 1 : i32
        %scan3A_115 = scf.for %scan3A_178 = %scan3A_111 to %scan3A_113 step %scan3A_114 iter_args(%scan3A_179 = %broadcast_in_dim3A_110) -> (vector<16xf32>)  : i32 {
          %mul3A_180 = arith.constant 64 : i32
          %mul3A_181 = arith.muli %scan3A_178, %mul3A_180 : i32
          %add3A_182 = arith.constant 0 : i32
          %add3A_183 = arith.addi %mul3A_181, %add3A_182 : i32
          %get3A_184 = arith.index_cast %add3A_108 : i32 to index
          %get3A_185 = arith.index_cast %add3A_183 : i32 to index
          %get3A_186 = tpu.vector_load %arg6[%get3A_184, %get3A_185] {strides = array<i32>} : memref<128x200xi32, #tpu.memory_space<vmem>>, vector<1x16xi32>,
          %get3A_187 = vector.shape_cast %get3A_186 : vector<1x16xi32> to vector<16xi32>
          %and3A_188 = arith.constant 15 : i32
          %and3A_189 = vector.broadcast %and3A_188 : i32 to vector<16xi32>
          %and3A_190 = arith.andi %get3A_187, %and3A_189 : vector<16xi32>
          %lt3A_191 = arith.constant 0 : i32
          %lt3A_192 = vector.broadcast %lt3A_191 : i32 to vector<16xi32>
          %lt3A_193 = arith.cmpi slt, %and3A_190, %lt3A_192 : vector<16xi32>
          %add3A_194 = arith.constant 16 : i32
          %add3A_195 = vector.broadcast %add3A_194 : i32 to vector<16xi32>
          %add3A_196 = arith.addi %and3A_190, %add3A_195 : vector<16xi32>
          %select_n3A_197 = arith.select %lt3A_193, %add3A_196, %and3A_190 : vector<16xi1>, vector<16xi32>
          %reshape3A_198 = vector.shape_cast %select_n3A_197 : vector<16xi32> to vector<16x1xi32>
          %gather3A_199 = vector.shape_cast %reshape3A_198 : vector<16x1xi32> to vector<16xi32>
          %gather3A_200 = tpu.dynamic_gather %get3A_4[%gather3A_199] in [0] : vector<16xf32>, vector<16xi32> -> vector<16xf32>
          %add3A_201 = arith.addf %scan3A_179, %gather3A_200 : vector<16xf32>
          %add3A_202 = arith.constant 16 : i32
          %add3A_203 = arith.addi %mul3A_181, %add3A_202 : i32
          %get3A_204 = arith.index_cast %add3A_108 : i32 to index
          %get3A_205 = arith.index_cast %add3A_203 : i32 to index
          %get3A_206 = tpu.vector_load %arg6[%get3A_204, %get3A_205] {strides = array<i32>} : memref<128x200xi32, #tpu.memory_space<vmem>>, vector<1x16xi32>,
          %get3A_207 = vector.shape_cast %get3A_206 : vector<1x16xi32> to vector<16xi32>
          %and3A_208 = arith.constant 15 : i32
          %and3A_209 = vector.broadcast %and3A_208 : i32 to vector<16xi32>
          %and3A_210 = arith.andi %get3A_207, %and3A_209 : vector<16xi32>
          %lt3A_211 = arith.constant 0 : i32
          %lt3A_212 = vector.broadcast %lt3A_211 : i32 to vector<16xi32>
          %lt3A_213 = arith.cmpi slt, %and3A_210, %lt3A_212 : vector<16xi32>
          %add3A_214 = arith.constant 16 : i32
          %add3A_215 = vector.broadcast %add3A_214 : i32 to vector<16xi32>
          %add3A_216 = arith.addi %and3A_210, %add3A_215 : vector<16xi32>
          %select_n3A_217 = arith.select %lt3A_213, %add3A_216, %and3A_210 : vector<16xi1>, vector<16xi32>
          %reshape3A_218 = vector.shape_cast %select_n3A_217 : vector<16xi32> to vector<16x1xi32>
          %gather3A_219 = vector.shape_cast %reshape3A_218 : vector<16x1xi32> to vector<16xi32>
          %gather3A_220 = tpu.dynamic_gather %get3A_4[%gather3A_219] in [0] : vector<16xf32>, vector<16xi32> -> vector<16xf32>
          %add3A_221 = arith.addf %add3A_201, %gather3A_220 : vector<16xf32>
          %add3A_222 = arith.constant 32 : i32
          %add3A_223 = arith.addi %mul3A_181, %add3A_222 : i32
          %get3A_224 = arith.index_cast %add3A_108 : i32 to index
          %get3A_225 = arith.index_cast %add3A_223 : i32 to index
          %get3A_226 = tpu.vector_load %arg6[%get3A_224, %get3A_225] {strides = array<i32>} : memref<128x200xi32, #tpu.memory_space<vmem>>, vector<1x16xi32>,
          %get3A_227 = vector.shape_cast %get3A_226 : vector<1x16xi32> to vector<16xi32>
          %and3A_228 = arith.constant 15 : i32
          %and3A_229 = vector.broadcast %and3A_228 : i32 to vector<16xi32>
          %and3A_230 = arith.andi %get3A_227, %and3A_229 : vector<16xi32>
          %lt3A_231 = arith.constant 0 : i32
          %lt3A_232 = vector.broadcast %lt3A_231 : i32 to vector<16xi32>
          %lt3A_233 = arith.cmpi slt, %and3A_230, %lt3A_232 : vector<16xi32>
          %add3A_234 = arith.constant 16 : i32
          %add3A_235 = vector.broadcast %add3A_234 : i32 to vector<16xi32>
          %add3A_236 = arith.addi %and3A_230, %add3A_235 : vector<16xi32>
          %select_n3A_237 = arith.select %lt3A_233, %add3A_236, %and3A_230 : vector<16xi1>, vector<16xi32>
          %reshape3A_238 = vector.shape_cast %select_n3A_237 : vector<16xi32> to vector<16x1xi32>
          %gather3A_239 = vector.shape_cast %reshape3A_238 : vector<16x1xi32> to vector<16xi32>
          %gather3A_240 = tpu.dynamic_gather %get3A_4[%gather3A_239] in [0] : vector<16xf32>, vector<16xi32> -> vector<16xf32>
          %add3A_241 = arith.addf %add3A_221, %gather3A_240 : vector<16xf32>
          %add3A_242 = arith.constant 48 : i32
          %add3A_243 = arith.addi %mul3A_181, %add3A_242 : i32
          %get3A_244 = arith.index_cast %add3A_108 : i32 to index
          %get3A_245 = arith.index_cast %add3A_243 : i32 to index
          %get3A_246 = tpu.vector_load %arg6[%get3A_244, %get3A_245] {strides = array<i32>} : memref<128x200xi32, #tpu.memory_space<vmem>>, vector<1x16xi32>,
          %get3A_247 = vector.shape_cast %get3A_246 : vector<1x16xi32> to vector<16xi32>
          %and3A_248 = arith.constant 15 : i32
          %and3A_249 = vector.broadcast %and3A_248 : i32 to vector<16xi32>
          %and3A_250 = arith.andi %get3A_247, %and3A_249 : vector<16xi32>
          %lt3A_251 = arith.constant 0 : i32
          %lt3A_252 = vector.broadcast %lt3A_251 : i32 to vector<16xi32>
          %lt3A_253 = arith.cmpi slt, %and3A_250, %lt3A_252 : vector<16xi32>
          %add3A_254 = arith.constant 16 : i32
          %add3A_255 = vector.broadcast %add3A_254 : i32 to vector<16xi32>
          %add3A_256 = arith.addi %and3A_250, %add3A_255 : vector<16xi32>
          %select_n3A_257 = arith.select %lt3A_253, %add3A_256, %and3A_250 : vector<16xi1>, vector<16xi32>
          %reshape3A_258 = vector.shape_cast %select_n3A_257 : vector<16xi32> to vector<16x1xi32>
          %gather3A_259 = vector.shape_cast %reshape3A_258 : vector<16x1xi32> to vector<16xi32>
          %gather3A_260 = tpu.dynamic_gather %get3A_4[%gather3A_259] in [0] : vector<16xf32>, vector<16xi32> -> vector<16xf32>
          %add3A_261 = arith.addf %add3A_241, %gather3A_260 : vector<16xf32>
          scf.yield %add3A_261 : vector<16xf32>
        }
        %scan3A_116 = arith.constant 3 : i32
        %get3A_117 = arith.index_cast %add3A_108 : i32 to index
        %get3A_118 = arith.constant 184 : index
        %get3A_119 = tpu.vector_load %arg6[%get3A_117, %get3A_118] {strides = array<i32>} : memref<128x200xi32, #tpu.memory_space<vmem>>, vector<1x16xi32>,
        %get3A_120 = vector.shape_cast %get3A_119 : vector<1x16xi32> to vector<16xi32>
        %and3A = arith.constant 15 : i32
        %and3A_121 = vector.broadcast %and3A : i32 to vector<16xi32>
        %and3A_122 = arith.andi %get3A_120, %and3A_121 : vector<16xi32>
        %lt3A = arith.constant 0 : i32
        %lt3A_123 = vector.broadcast %lt3A : i32 to vector<16xi32>
        %lt3A_124 = arith.cmpi slt, %and3A_122, %lt3A_123 : vector<16xi32>
        %add3A_125 = arith.constant 16 : i32
        %add3A_126 = vector.broadcast %add3A_125 : i32 to vector<16xi32>
        %add3A_127 = arith.addi %and3A_122, %add3A_126 : vector<16xi32>
        %select_n3A = arith.select %lt3A_124, %add3A_127, %and3A_122 : vector<16xi1>, vector<16xi32>
        %reshape3A = vector.shape_cast %select_n3A : vector<16xi32> to vector<16x1xi32>
        %gather3A = vector.shape_cast %reshape3A : vector<16x1xi32> to vector<16xi32>
        %gather3A_128 = tpu.dynamic_gather %get3A_4[%gather3A] in [0] : vector<16xf32>, vector<16xi32> -> vector<16xf32>
        %jit3A = arith.constant 0.000000e+00 : f32
        %broadcast_in_dim3A_129 = vector.broadcast %jit3A : f32 to vector<16xf32>
        %select_n3A_130 = arith.select %ge3A_6, %gather3A_128, %broadcast_in_dim3A_129 : vector<16xi1>, vector<16xf32>
        %add3A_131 = arith.addf %scan3A_115, %select_n3A_130 : vector<16xf32>
        %lt3A_132 = arith.constant 0 : i32
        %lt3A_133 = vector.broadcast %lt3A_132 : i32 to vector<16xi32>
        %lt3A_134 = arith.cmpi slt, %xor3A_8, %lt3A_133 : vector<16xi32>
        %add3A_135 = arith.constant 16 : i32
        %add3A_136 = vector.broadcast %add3A_135 : i32 to vector<16xi32>
        %add3A_137 = arith.addi %xor3A_8, %add3A_136 : vector<16xi32>
        %select_n3A_138 = arith.select %lt3A_134, %add3A_137, %xor3A_8 : vector<16xi1>, vector<16xi32>
        %reshape3A_139 = vector.shape_cast %select_n3A_138 : vector<16xi32> to vector<16x1xi32>
        %gather3A_140 = vector.shape_cast %reshape3A_139 : vector<16x1xi32> to vector<16xi32>
        %gather3A_141 = tpu.dynamic_gather %add3A_131[%gather3A_140] in [0] : vector<16xf32>, vector<16xi32> -> vector<16xf32>
        %add3A_142 = arith.addf %add3A_131, %gather3A_141 : vector<16xf32>
        %lt3A_143 = arith.constant 0 : i32
        %lt3A_144 = vector.broadcast %lt3A_143 : i32 to vector<16xi32>
        %lt3A_145 = arith.cmpi slt, %xor3A_11, %lt3A_144 : vector<16xi32>
        %add3A_146 = arith.constant 16 : i32
        %add3A_147 = vector.broadcast %add3A_146 : i32 to vector<16xi32>
        %add3A_148 = arith.addi %xor3A_11, %add3A_147 : vector<16xi32>
        %select_n3A_149 = arith.select %lt3A_145, %add3A_148, %xor3A_11 : vector<16xi1>, vector<16xi32>
        %reshape3A_150 = vector.shape_cast %select_n3A_149 : vector<16xi32> to vector<16x1xi32>
        %gather3A_151 = vector.shape_cast %reshape3A_150 : vector<16x1xi32> to vector<16xi32>
        %gather3A_152 = tpu.dynamic_gather %add3A_142[%gather3A_151] in [0] : vector<16xf32>, vector<16xi32> -> vector<16xf32>
        %add3A_153 = arith.addf %add3A_142, %gather3A_152 : vector<16xf32>
        %lt3A_154 = arith.constant 0 : i32
        %lt3A_155 = vector.broadcast %lt3A_154 : i32 to vector<16xi32>
        %lt3A_156 = arith.cmpi slt, %xor3A_14, %lt3A_155 : vector<16xi32>
        %add3A_157 = arith.constant 16 : i32
        %add3A_158 = vector.broadcast %add3A_157 : i32 to vector<16xi32>
        %add3A_159 = arith.addi %xor3A_14, %add3A_158 : vector<16xi32>
        %select_n3A_160 = arith.select %lt3A_156, %add3A_159, %xor3A_14 : vector<16xi1>, vector<16xi32>
        %reshape3A_161 = vector.shape_cast %select_n3A_160 : vector<16xi32> to vector<16x1xi32>
        %gather3A_162 = vector.shape_cast %reshape3A_161 : vector<16x1xi32> to vector<16xi32>
        %gather3A_163 = tpu.dynamic_gather %add3A_153[%gather3A_162] in [0] : vector<16xf32>, vector<16xi32> -> vector<16xf32>
        %add3A_164 = arith.addf %add3A_153, %gather3A_163 : vector<16xf32>
        %lt3A_165 = arith.constant 0 : i32
        %lt3A_166 = vector.broadcast %lt3A_165 : i32 to vector<16xi32>
        %lt3A_167 = arith.cmpi slt, %xor3A_17, %lt3A_166 : vector<16xi32>
        %add3A_168 = arith.constant 16 : i32
        %add3A_169 = vector.broadcast %add3A_168 : i32 to vector<16xi32>
        %add3A_170 = arith.addi %xor3A_17, %add3A_169 : vector<16xi32>
        %select_n3A_171 = arith.select %lt3A_167, %add3A_170, %xor3A_17 : vector<16xi1>, vector<16xi32>
        %reshape3A_172 = vector.shape_cast %select_n3A_171 : vector<16xi32> to vector<16x1xi32>
        %gather3A_173 = vector.shape_cast %reshape3A_172 : vector<16x1xi32> to vector<16xi32>
        %gather3A_174 = tpu.dynamic_gather %add3A_164[%gather3A_173] in [0] : vector<16xf32>, vector<16xi32> -> vector<16xf32>
        %add3A_175 = arith.addf %add3A_164, %gather3A_174 : vector<16xf32>
        %eq3A = vector.broadcast %scan3A_104 : i32 to vector<16xi32>
        %eq3A_176 = arith.cmpi eq, %iota3A, %eq3A : vector<16xi32>
        %select_n3A_177 = arith.select %eq3A_176, %add3A_175, %scan3A_105 : vector<16xi1>, vector<16xf32>
        scf.yield %select_n3A_177 : vector<16xf32>
      }
      %scan3A_91 = arith.constant 16 : i32
      %mul3A_92 = arith.constant 16 : i32
      %mul3A_93 = arith.muli %scan3A_83, %mul3A_92 : i32
      %add3A_94 = arith.constant 256 : i32
      %add3A_95 = arith.addi %add3A_94, %mul3A_93 : i32
      %get3A_96 = arith.index_cast %add3A_95 : i32 to index
      %get3A_97 = tpu.vector_load %arg8[%get3A_96] {strides = array<i32>} : memref<512xf32, #tpu.memory_space<vmem>>, vector<16xf32>,
      %get3A_98 = vector.shape_cast %get3A_97 : vector<16xf32> to vector<16xf32>
      %add3A_99 = arith.addf %scan3A_90, %get3A_98 : vector<16xf32>
      %swap3A = arith.index_cast %add3A_95 : i32 to index
      %swap3A_100 = tpu.vector_load %arg9[%swap3A] {strides = array<i32>} : memref<512xf32, #tpu.memory_space<vmem>>, vector<16xf32>,
      %swap3A_101 = vector.shape_cast %swap3A_100 : vector<16xf32> to vector<16xf32>
      %swap3A_102 = vector.shape_cast %add3A_99 : vector<16xf32> to vector<16xf32>
      tpu.vector_store %arg9[%swap3A], %swap3A_102 {strides = array<i32>} : memref<512xf32, #tpu.memory_space<vmem>>, vector<16xf32>,
      %scan3A_103 = arith.constant 0 : i32
      scf.yield %scan3A_103 : i32
    }
    %scan3A_71 = arith.constant 8 : i32
    %dma_wait3A_72 = arith.constant 0 : i32
    %dma_wait3A_73 = tpu.memref_slice %arg2[%add3A_60, %dma_wait3A_72] : memref<16384x200xi32, #tpu.memory_space<hbm>> -> memref<128x200xi32, #tpu.memory_space<hbm>>
    %dma_wait3A_74 = arith.constant 0 : i32
    %dma_wait3A_75 = tpu.memref_slice %arg2[%add3A_60, %dma_wait3A_74] : memref<16384x200xi32, #tpu.memory_space<hbm>> -> memref<128x200xi32, #tpu.memory_space<hbm>>
    tpu.wait_dma2 semaphore(%arg12 : memref<!tpu.dma_semaphore, #tpu.memory_space<semaphore_mem>>) src(%dma_wait3A_75 : memref<128x200xi32, #tpu.memory_space<hbm>>) dst(%arg7 : memref<128x200xi32, #tpu.memory_space<vmem>>)
    %scan3A_76 = arith.constant 0 : i32
    %scan3A_77 = arith.constant 0 : i32
    %scan3A_78 = arith.constant 8 : i32
    %scan3A_79 = arith.addi %scan3A_77, %scan3A_78 : i32
    %scan3A_80 = arith.constant 1 : i32
    %scan3A_81 = scf.for %scan3A_83 = %scan3A_77 to %scan3A_79 step %scan3A_80 iter_args(%scan3A_84 = %scan3A_76) -> (i32)  : i32 {
      %broadcast_in_dim3A = arith.constant 0.000000e+00 : f32
      %broadcast_in_dim3A_85 = vector.broadcast %broadcast_in_dim3A : f32 to vector<16xf32>
      %scan3A_86 = arith.constant 0 : i32
      %scan3A_87 = arith.constant 16 : i32
      %scan3A_88 = arith.addi %scan3A_86, %scan3A_87 : i32
      %scan3A_89 = arith.constant 1 : i32
      %scan3A_90 = scf.for %scan3A_104 = %scan3A_86 to %scan3A_88 step %scan3A_89 iter_args(%scan3A_105 = %broadcast_in_dim3A_85) -> (vector<16xf32>)  : i32 {
        %mul3A_106 = arith.constant 16 : i32
        %mul3A_107 = arith.muli %scan3A_83, %mul3A_106 : i32
        %add3A_108 = arith.addi %mul3A_107, %scan3A_104 : i32
        %broadcast_in_dim3A_109 = arith.constant 0.000000e+00 : f32
        %broadcast_in_dim3A_110 = vector.broadcast %broadcast_in_dim3A_109 : f32 to vector<16xf32>
        %scan3A_111 = arith.constant 0 : i32
        %scan3A_112 = arith.constant 3 : i32
        %scan3A_113 = arith.addi %scan3A_111, %scan3A_112 : i32
        %scan3A_114 = arith.constant 1 : i32
        %scan3A_115 = scf.for %scan3A_178 = %scan3A_111 to %scan3A_113 step %scan3A_114 iter_args(%scan3A_179 = %broadcast_in_dim3A_110) -> (vector<16xf32>)  : i32 {
          %mul3A_180 = arith.constant 64 : i32
          %mul3A_181 = arith.muli %scan3A_178, %mul3A_180 : i32
          %add3A_182 = arith.constant 0 : i32
          %add3A_183 = arith.addi %mul3A_181, %add3A_182 : i32
          %get3A_184 = arith.index_cast %add3A_108 : i32 to index
          %get3A_185 = arith.index_cast %add3A_183 : i32 to index
          %get3A_186 = tpu.vector_load %arg7[%get3A_184, %get3A_185] {strides = array<i32>} : memref<128x200xi32, #tpu.memory_space<vmem>>, vector<1x16xi32>,
          %get3A_187 = vector.shape_cast %get3A_186 : vector<1x16xi32> to vector<16xi32>
          %and3A_188 = arith.constant 15 : i32
          %and3A_189 = vector.broadcast %and3A_188 : i32 to vector<16xi32>
          %and3A_190 = arith.andi %get3A_187, %and3A_189 : vector<16xi32>
          %lt3A_191 = arith.constant 0 : i32
          %lt3A_192 = vector.broadcast %lt3A_191 : i32 to vector<16xi32>
          %lt3A_193 = arith.cmpi slt, %and3A_190, %lt3A_192 : vector<16xi32>
          %add3A_194 = arith.constant 16 : i32
          %add3A_195 = vector.broadcast %add3A_194 : i32 to vector<16xi32>
          %add3A_196 = arith.addi %and3A_190, %add3A_195 : vector<16xi32>
          %select_n3A_197 = arith.select %lt3A_193, %add3A_196, %and3A_190 : vector<16xi1>, vector<16xi32>
          %reshape3A_198 = vector.shape_cast %select_n3A_197 : vector<16xi32> to vector<16x1xi32>
          %gather3A_199 = vector.shape_cast %reshape3A_198 : vector<16x1xi32> to vector<16xi32>
          %gather3A_200 = tpu.dynamic_gather %get3A_4[%gather3A_199] in [0] : vector<16xf32>, vector<16xi32> -> vector<16xf32>
          %add3A_201 = arith.addf %scan3A_179, %gather3A_200 : vector<16xf32>
          %add3A_202 = arith.constant 16 : i32
          %add3A_203 = arith.addi %mul3A_181, %add3A_202 : i32
          %get3A_204 = arith.index_cast %add3A_108 : i32 to index
          %get3A_205 = arith.index_cast %add3A_203 : i32 to index
          %get3A_206 = tpu.vector_load %arg7[%get3A_204, %get3A_205] {strides = array<i32>} : memref<128x200xi32, #tpu.memory_space<vmem>>, vector<1x16xi32>,
          %get3A_207 = vector.shape_cast %get3A_206 : vector<1x16xi32> to vector<16xi32>
          %and3A_208 = arith.constant 15 : i32
          %and3A_209 = vector.broadcast %and3A_208 : i32 to vector<16xi32>
          %and3A_210 = arith.andi %get3A_207, %and3A_209 : vector<16xi32>
          %lt3A_211 = arith.constant 0 : i32
          %lt3A_212 = vector.broadcast %lt3A_211 : i32 to vector<16xi32>
          %lt3A_213 = arith.cmpi slt, %and3A_210, %lt3A_212 : vector<16xi32>
          %add3A_214 = arith.constant 16 : i32
          %add3A_215 = vector.broadcast %add3A_214 : i32 to vector<16xi32>
          %add3A_216 = arith.addi %and3A_210, %add3A_215 : vector<16xi32>
          %select_n3A_217 = arith.select %lt3A_213, %add3A_216, %and3A_210 : vector<16xi1>, vector<16xi32>
          %reshape3A_218 = vector.shape_cast %select_n3A_217 : vector<16xi32> to vector<16x1xi32>
          %gather3A_219 = vector.shape_cast %reshape3A_218 : vector<16x1xi32> to vector<16xi32>
          %gather3A_220 = tpu.dynamic_gather %get3A_4[%gather3A_219] in [0] : vector<16xf32>, vector<16xi32> -> vector<16xf32>
          %add3A_221 = arith.addf %add3A_201, %gather3A_220 : vector<16xf32>
          %add3A_222 = arith.constant 32 : i32
          %add3A_223 = arith.addi %mul3A_181, %add3A_222 : i32
          %get3A_224 = arith.index_cast %add3A_108 : i32 to index
          %get3A_225 = arith.index_cast %add3A_223 : i32 to index
          %get3A_226 = tpu.vector_load %arg7[%get3A_224, %get3A_225] {strides = array<i32>} : memref<128x200xi32, #tpu.memory_space<vmem>>, vector<1x16xi32>,
          %get3A_227 = vector.shape_cast %get3A_226 : vector<1x16xi32> to vector<16xi32>
          %and3A_228 = arith.constant 15 : i32
          %and3A_229 = vector.broadcast %and3A_228 : i32 to vector<16xi32>
          %and3A_230 = arith.andi %get3A_227, %and3A_229 : vector<16xi32>
          %lt3A_231 = arith.constant 0 : i32
          %lt3A_232 = vector.broadcast %lt3A_231 : i32 to vector<16xi32>
          %lt3A_233 = arith.cmpi slt, %and3A_230, %lt3A_232 : vector<16xi32>
          %add3A_234 = arith.constant 16 : i32
          %add3A_235 = vector.broadcast %add3A_234 : i32 to vector<16xi32>
          %add3A_236 = arith.addi %and3A_230, %add3A_235 : vector<16xi32>
          %select_n3A_237 = arith.select %lt3A_233, %add3A_236, %and3A_230 : vector<16xi1>, vector<16xi32>
          %reshape3A_238 = vector.shape_cast %select_n3A_237 : vector<16xi32> to vector<16x1xi32>
          %gather3A_239 = vector.shape_cast %reshape3A_238 : vector<16x1xi32> to vector<16xi32>
          %gather3A_240 = tpu.dynamic_gather %get3A_4[%gather3A_239] in [0] : vector<16xf32>, vector<16xi32> -> vector<16xf32>
          %add3A_241 = arith.addf %add3A_221, %gather3A_240 : vector<16xf32>
          %add3A_242 = arith.constant 48 : i32
          %add3A_243 = arith.addi %mul3A_181, %add3A_242 : i32
          %get3A_244 = arith.index_cast %add3A_108 : i32 to index
          %get3A_245 = arith.index_cast %add3A_243 : i32 to index
          %get3A_246 = tpu.vector_load %arg7[%get3A_244, %get3A_245] {strides = array<i32>} : memref<128x200xi32, #tpu.memory_space<vmem>>, vector<1x16xi32>,
          %get3A_247 = vector.shape_cast %get3A_246 : vector<1x16xi32> to vector<16xi32>
          %and3A_248 = arith.constant 15 : i32
          %and3A_249 = vector.broadcast %and3A_248 : i32 to vector<16xi32>
          %and3A_250 = arith.andi %get3A_247, %and3A_249 : vector<16xi32>
          %lt3A_251 = arith.constant 0 : i32
          %lt3A_252 = vector.broadcast %lt3A_251 : i32 to vector<16xi32>
          %lt3A_253 = arith.cmpi slt, %and3A_250, %lt3A_252 : vector<16xi32>
          %add3A_254 = arith.constant 16 : i32
          %add3A_255 = vector.broadcast %add3A_254 : i32 to vector<16xi32>
          %add3A_256 = arith.addi %and3A_250, %add3A_255 : vector<16xi32>
          %select_n3A_257 = arith.select %lt3A_253, %add3A_256, %and3A_250 : vector<16xi1>, vector<16xi32>
          %reshape3A_258 = vector.shape_cast %select_n3A_257 : vector<16xi32> to vector<16x1xi32>
          %gather3A_259 = vector.shape_cast %reshape3A_258 : vector<16x1xi32> to vector<16xi32>
          %gather3A_260 = tpu.dynamic_gather %get3A_4[%gather3A_259] in [0] : vector<16xf32>, vector<16xi32> -> vector<16xf32>
          %add3A_261 = arith.addf %add3A_241, %gather3A_260 : vector<16xf32>
          scf.yield %add3A_261 : vector<16xf32>
        }
        %scan3A_116 = arith.constant 3 : i32
        %get3A_117 = arith.index_cast %add3A_108 : i32 to index
        %get3A_118 = arith.constant 184 : index
        %get3A_119 = tpu.vector_load %arg7[%get3A_117, %get3A_118] {strides = array<i32>} : memref<128x200xi32, #tpu.memory_space<vmem>>, vector<1x16xi32>,
        %get3A_120 = vector.shape_cast %get3A_119 : vector<1x16xi32> to vector<16xi32>
        %and3A = arith.constant 15 : i32
        %and3A_121 = vector.broadcast %and3A : i32 to vector<16xi32>
        %and3A_122 = arith.andi %get3A_120, %and3A_121 : vector<16xi32>
        %lt3A = arith.constant 0 : i32
        %lt3A_123 = vector.broadcast %lt3A : i32 to vector<16xi32>
        %lt3A_124 = arith.cmpi slt, %and3A_122, %lt3A_123 : vector<16xi32>
        %add3A_125 = arith.constant 16 : i32
        %add3A_126 = vector.broadcast %add3A_125 : i32 to vector<16xi32>
        %add3A_127 = arith.addi %and3A_122, %add3A_126 : vector<16xi32>
        %select_n3A = arith.select %lt3A_124, %add3A_127, %and3A_122 : vector<16xi1>, vector<16xi32>
        %reshape3A = vector.shape_cast %select_n3A : vector<16xi32> to vector<16x1xi32>
        %gather3A = vector.shape_cast %reshape3A : vector<16x1xi32> to vector<16xi32>
        %gather3A_128 = tpu.dynamic_gather %get3A_4[%gather3A] in [0] : vector<16xf32>, vector<16xi32> -> vector<16xf32>
        %jit3A = arith.constant 0.000000e+00 : f32
        %broadcast_in_dim3A_129 = vector.broadcast %jit3A : f32 to vector<16xf32>
        %select_n3A_130 = arith.select %ge3A_6, %gather3A_128, %broadcast_in_dim3A_129 : vector<16xi1>, vector<16xf32>
        %add3A_131 = arith.addf %scan3A_115, %select_n3A_130 : vector<16xf32>
        %lt3A_132 = arith.constant 0 : i32
        %lt3A_133 = vector.broadcast %lt3A_132 : i32 to vector<16xi32>
        %lt3A_134 = arith.cmpi slt, %xor3A_8, %lt3A_133 : vector<16xi32>
        %add3A_135 = arith.constant 16 : i32
        %add3A_136 = vector.broadcast %add3A_135 : i32 to vector<16xi32>
        %add3A_137 = arith.addi %xor3A_8, %add3A_136 : vector<16xi32>
        %select_n3A_138 = arith.select %lt3A_134, %add3A_137, %xor3A_8 : vector<16xi1>, vector<16xi32>
        %reshape3A_139 = vector.shape_cast %select_n3A_138 : vector<16xi32> to vector<16x1xi32>
        %gather3A_140 = vector.shape_cast %reshape3A_139 : vector<16x1xi32> to vector<16xi32>
        %gather3A_141 = tpu.dynamic_gather %add3A_131[%gather3A_140] in [0] : vector<16xf32>, vector<16xi32> -> vector<16xf32>
        %add3A_142 = arith.addf %add3A_131, %gather3A_141 : vector<16xf32>
        %lt3A_143 = arith.constant 0 : i32
        %lt3A_144 = vector.broadcast %lt3A_143 : i32 to vector<16xi32>
        %lt3A_145 = arith.cmpi slt, %xor3A_11, %lt3A_144 : vector<16xi32>
        %add3A_146 = arith.constant 16 : i32
        %add3A_147 = vector.broadcast %add3A_146 : i32 to vector<16xi32>
        %add3A_148 = arith.addi %xor3A_11, %add3A_147 : vector<16xi32>
        %select_n3A_149 = arith.select %lt3A_145, %add3A_148, %xor3A_11 : vector<16xi1>, vector<16xi32>
        %reshape3A_150 = vector.shape_cast %select_n3A_149 : vector<16xi32> to vector<16x1xi32>
        %gather3A_151 = vector.shape_cast %reshape3A_150 : vector<16x1xi32> to vector<16xi32>
        %gather3A_152 = tpu.dynamic_gather %add3A_142[%gather3A_151] in [0] : vector<16xf32>, vector<16xi32> -> vector<16xf32>
        %add3A_153 = arith.addf %add3A_142, %gather3A_152 : vector<16xf32>
        %lt3A_154 = arith.constant 0 : i32
        %lt3A_155 = vector.broadcast %lt3A_154 : i32 to vector<16xi32>
        %lt3A_156 = arith.cmpi slt, %xor3A_14, %lt3A_155 : vector<16xi32>
        %add3A_157 = arith.constant 16 : i32
        %add3A_158 = vector.broadcast %add3A_157 : i32 to vector<16xi32>
        %add3A_159 = arith.addi %xor3A_14, %add3A_158 : vector<16xi32>
        %select_n3A_160 = arith.select %lt3A_156, %add3A_159, %xor3A_14 : vector<16xi1>, vector<16xi32>
        %reshape3A_161 = vector.shape_cast %select_n3A_160 : vector<16xi32> to vector<16x1xi32>
        %gather3A_162 = vector.shape_cast %reshape3A_161 : vector<16x1xi32> to vector<16xi32>
        %gather3A_163 = tpu.dynamic_gather %add3A_153[%gather3A_162] in [0] : vector<16xf32>, vector<16xi32> -> vector<16xf32>
        %add3A_164 = arith.addf %add3A_153, %gather3A_163 : vector<16xf32>
        %lt3A_165 = arith.constant 0 : i32
        %lt3A_166 = vector.broadcast %lt3A_165 : i32 to vector<16xi32>
        %lt3A_167 = arith.cmpi slt, %xor3A_17, %lt3A_166 : vector<16xi32>
        %add3A_168 = arith.constant 16 : i32
        %add3A_169 = vector.broadcast %add3A_168 : i32 to vector<16xi32>
        %add3A_170 = arith.addi %xor3A_17, %add3A_169 : vector<16xi32>
        %select_n3A_171 = arith.select %lt3A_167, %add3A_170, %xor3A_17 : vector<16xi1>, vector<16xi32>
        %reshape3A_172 = vector.shape_cast %select_n3A_171 : vector<16xi32> to vector<16x1xi32>
        %gather3A_173 = vector.shape_cast %reshape3A_172 : vector<16x1xi32> to vector<16xi32>
        %gather3A_174 = tpu.dynamic_gather %add3A_164[%gather3A_173] in [0] : vector<16xf32>, vector<16xi32> -> vector<16xf32>
        %add3A_175 = arith.addf %add3A_164, %gather3A_174 : vector<16xf32>
        %eq3A = vector.broadcast %scan3A_104 : i32 to vector<16xi32>
        %eq3A_176 = arith.cmpi eq, %iota3A, %eq3A : vector<16xi32>
        %select_n3A_177 = arith.select %eq3A_176, %add3A_175, %scan3A_105 : vector<16xi1>, vector<16xf32>
        scf.yield %select_n3A_177 : vector<16xf32>
      }
      %scan3A_91 = arith.constant 16 : i32
      %mul3A_92 = arith.constant 16 : i32
      %mul3A_93 = arith.muli %scan3A_83, %mul3A_92 : i32
      %add3A_94 = arith.constant 384 : i32
      %add3A_95 = arith.addi %add3A_94, %mul3A_93 : i32
      %get3A_96 = arith.index_cast %add3A_95 : i32 to index
      %get3A_97 = tpu.vector_load %arg8[%get3A_96] {strides = array<i32>} : memref<512xf32, #tpu.memory_space<vmem>>, vector<16xf32>,
      %get3A_98 = vector.shape_cast %get3A_97 : vector<16xf32> to vector<16xf32>
      %add3A_99 = arith.addf %scan3A_90, %get3A_98 : vector<16xf32>
      %swap3A = arith.index_cast %add3A_95 : i32 to index
      %swap3A_100 = tpu.vector_load %arg9[%swap3A] {strides = array<i32>} : memref<512xf32, #tpu.memory_space<vmem>>, vector<16xf32>,
      %swap3A_101 = vector.shape_cast %swap3A_100 : vector<16xf32> to vector<16xf32>
      %swap3A_102 = vector.shape_cast %add3A_99 : vector<16xf32> to vector<16xf32>
      tpu.vector_store %arg9[%swap3A], %swap3A_102 {strides = array<i32>} : memref<512xf32, #tpu.memory_space<vmem>>, vector<16xf32>,
      %scan3A_103 = arith.constant 0 : i32
      scf.yield %scan3A_103 : i32
    }
    %scan3A_82 = arith.constant 8 : i32
    "tpu.region"() ({
      %run_scoped3A = tpu.sem_alloc : memref<!tpu.dma_semaphore, #tpu.memory_space<semaphore_mem>>
      %dma_start3A_83 = tpu.memref_slice %arg5[%mul3A_2] : memref<16384xf32, #tpu.memory_space<hbm>> -> memref<512xf32, #tpu.memory_space<hbm>>
      %dma_start3A_84 = tpu.memref_slice %arg5[%mul3A_2] : memref<16384xf32, #tpu.memory_space<hbm>> -> memref<512xf32, #tpu.memory_space<hbm>>
      tpu.enqueue_dma source(%arg9 : memref<512xf32, #tpu.memory_space<vmem>>) target(%dma_start3A_84 : memref<512xf32, #tpu.memory_space<hbm>>) target_semaphore(%run_scoped3A : memref<!tpu.dma_semaphore, #tpu.memory_space<semaphore_mem>>)
      %dma_wait3A_85 = tpu.memref_slice %arg5[%mul3A_2] : memref<16384xf32, #tpu.memory_space<hbm>> -> memref<512xf32, #tpu.memory_space<hbm>>
      %dma_wait3A_86 = tpu.memref_slice %arg5[%mul3A_2] : memref<16384xf32, #tpu.memory_space<hbm>> -> memref<512xf32, #tpu.memory_space<hbm>>
      tpu.wait_dma2 semaphore(%run_scoped3A : memref<!tpu.dma_semaphore, #tpu.memory_space<semaphore_mem>>) src(%arg9 : memref<512xf32, #tpu.memory_space<vmem>>) dst(%dma_wait3A_86 : memref<512xf32, #tpu.memory_space<hbm>>)
      tpu.yield
    }) : () -> ()
    return
  }
}

</mosaic_0001>

<sc_bundles>
// kernel: kernel.3.cloned.1.call-start
scs
__scs_entry_jumppad:
0x0: {  	(pc) =	sbr.rel $0x88, $3  }
0x1: {  	(tag) =	ssettag $0x0;
	lr =	simm.s32 $0x1  }
0x2: {  	[smem:$0x3F9E] =	sst lr;
	_ =	strace $0xD0000000  }
0x3: {  	_ = 	snop  }
0x4: {  	_ = 	snop  }
0x5: {  	_ = 	snop  }
0x6: {  	_ = 	snop  }
0x7: {  	_ = 	snop  }
__scs_overlays_trampoline_lowered:
0x8: {  	[smem:$0x3FAD] =	sst s0  }
0x9: {  	[smem:$0x3FAE] =	sst s1  }
0xa: {  	[smem:$0x3FAF] =	sst s2  }
0xb: {  	[smem:$0x3FB0] =	sst s3  }
0xc: {  	[smem:$0x3FB1] =	sst s4  }
0xd: {  	[smem:$0x3FB2] =	sst s5  }
0xe: {  	[smem:$0x3FB3] =	sst s6  }
0xf: {  	[smem:$0x3FB4] =	sst s7  }
0x10: {  	[smem:$0x3FB5] =	sst s8  }
0x11: {  	[smem:$0x3FB6] =	sst s9;
	s0 =	simm.s32 @!p0 $0x0  }
0x12: {  	s1 =	sld [smem:$0x3F9C];
	s0 =	simm.s32 @p0 $0x1  }
0x13: {  	[smem:$0x3FB7] =	sst s0;
	s0 =	simm.s32 @!p1 $0x0  }
0x14: {  	s2 =	sld [smem:$0x3F9B];
	s0 =	simm.s32 @p1 $0x1  }
0x15: {  	[smem:$0x3FB8] =	sst s0;
	s0 =	simm.s32 @!p2 $0x0  }
0x16: {  	s3 =	sld [smem:$0x3FDB];
	s0 =	simm.s32 @p2 $0x1  }
0x17: {  	s4 =	simm.s32 $0x1BF5;
	[smem:$0x3FBA] =	sst s0  }
0x18: {  	s0 =	sld [smem:$0x3F9D];
	_ =	swait.ge [sflag:s4], $0x0  }
0x19: {  	s7 =	sld [smem:$0x3F9E]  }
0x1a: {  	s8 =	sadd.s32 $0xFFFFE003, lr  }
0x1b: {  	s9 =	sadd.s32 $0xFFFFFEF7, lr;
	s5 =	simm.s32 $0xFFFFFFFF;
	p2 =	slt.u32 s8, $0xFFFFF086  }
0x1c: {  	p1 =	slt.u32 s9, $0xF7A;
	s5 =	simm.s32 @!p2 $0x0  }
0x1d: {  	s5 =	simm.s32 @p1 $0x1;
	p0 =	seq.s32 s7, s2  }
0x1e: {  	s7 =	smul.u32 @!p0 $0xF7A, s2;
	p2 =	seq.s32 @!p0 s5, $0x0  }
0x1f: {  	s9 =	smul.u32 $0xF7A, s1;
	s8 =	simm.s32 @!p0 $0x1BF5;
	p2 =	por !p2, p0  }
0x20: {  	[sflag:s8] =	ssyncset.s32 @!p0 $0xFFFFF086;
	s6 =	sadd.s32 @!p0 s3, s7;
	s7 =	simm.s32 @!p0 $0x108  }
0x21: {  	s3 =	sadd.s32 s3, s9;
	s6 =	sadd.s32 @!p0 $0x88, s6;
	s7 =	simm.s32 @p2 $0x1082  }
0x22: {  	[simem:s7], [sflag:s8] =	dma.local @!p0 [hbm:s6], $0xF7A  }
0x23: {  	s9 =	sor.u32 $0xD0000000, s2;
	s6 =	simm.s32 $0x108;
	_ =	swait.ge @!p0 [sflag:s8], $0x0  }
0x24: {  	s3 =	sadd.s32 $0x88, s3;
	s6 =	simm.s32 @!p1 $0x1082;
	[sflag:s4] =	ssyncset.s32 $0xFFFFF086  }
0x25: {  	[simem:s6], [sflag:s4] =	dma.local [hbm:s3], $0xF7A  }
0x26: {  	[smem:$0x3F9E] =	sst s1;
	(tag) =	ssettag s2;
	_ =	strace s9  }
0x27: {  	s1 =	sld [smem:$0x3FAE]  }
0x28: {  	s2 =	sld [smem:$0x3FAF]  }
0x29: {  	s4 =	sld [smem:$0x3FB1]  }
0x2a: {  	p0 =	seq.s32 s5, $0x0;
	s5 =	sld [smem:$0x3FB2]  }
0x2b: {  	s6 =	sld [smem:$0x3FB3]  }
0x2c: {  	s7 =	sld [smem:$0x3FB4]  }
0x2d: {  	s3 =	simm.s32 $0x108;
	s8 =	sld [smem:$0x3FB5]  }
0x2e: {  	s3 =	simm.s32 @!p0 $0x1082;
	s9 =	sld [smem:$0x3FB6]  }
0x2f: {  	lr =	sadd.s32 s0, s3;
	s0 =	sld [smem:$0x3FAD]  }
0x30: {  	s3 =	sld [smem:$0x3FB0]  }
0x31: {  	[smem:$0x3FB9] =	sst s10  }
0x32: {  	s10 =	sld [smem:$0x3FB7];
	_ =	sdelay $0x3  }
0x33: {  	p0 =	seq.s32 s10, $0x1;
	s10 =	sld [smem:$0x3FB9];
	_ =	sdelay $0x3  }
0x34: {  	[smem:$0x3FB9] =	sst s10  }
0x35: {  	s10 =	sld [smem:$0x3FB8];
	_ =	sdelay $0x3  }
0x36: {  	p1 =	seq.s32 s10, $0x1;
	s10 =	sld [smem:$0x3FB9];
	_ =	sdelay $0x3  }
0x37: {  	[smem:$0x3FB9] =	sst s10  }
0x38: {  	s10 =	sld [smem:$0x3FBA]  }
0x39: {  	_ = 	snop;
	(pc) =	sbr.ind lr, $3  }
0x3a: {  	_ = 	snop  }
0x3b: {  	_ = 	snop  }
0x3c: {  	p2 =	seq.s32 s10, $0x1;
	s10 =	sld [smem:$0x3FB9]  }
0x3d: {  	_ =	shalt  }
0x3e: {  	_ =	shalt  }
0x3f: {  	_ =	shalt  }
0x40: {  	_ =	shalt  }
0x41: {  	_ =	shalt  }
0x42: {  	_ =	shalt  }
0x43: {  	_ =	shalt  }
0x44: {  	_ =	shalt  }
0x45: {  	_ =	shalt  }
0x46: {  	_ =	shalt  }
0x47: {  	_ =	shalt  }
0x48: {  	_ =	shalt  }
0x49: {  	_ =	shalt  }
0x4a: {  	_ =	shalt  }
0x4b: {  	_ =	shalt  }
0x4c: {  	_ =	shalt  }
0x4d: {  	_ =	shalt  }
0x4e: {  	_ =	shalt  }
0x4f: {  	_ =	shalt  }
0x50: {  	_ =	shalt  }
0x51: {  	_ =	shalt  }
0x52: {  	_ =	shalt  }
0x53: {  	_ =	shalt  }
0x54: {  	_ =	shalt  }
0x55: {  	_ =	shalt  }
0x56: {  	_ =	shalt  }
0x57: {  	_ =	shalt  }
0x58: {  	_ =	shalt  }
0x59: {  	_ =	shalt  }
0x5a: {  	_ =	shalt  }
0x5b: {  	_ =	shalt  }
0x5c: {  	_ =	shalt  }
0x5d: {  	_ =	shalt  }
0x5e: {  	_ =	shalt  }
0x5f: {  	_ =	shalt  }
0x60: {  	_ =	shalt  }
0x61: {  	_ =	shalt  }
0x62: {  	_ =	shalt  }
0x63: {  	_ =	shalt  }
0x64: {  	_ =	shalt  }
0x65: {  	_ =	shalt  }
0x66: {  	_ =	shalt  }
0x67: {  	_ =	shalt  }
0x68: {  	_ =	shalt  }
0x69: {  	_ =	shalt  }
0x6a: {  	_ =	shalt  }
0x6b: {  	_ =	shalt  }
0x6c: {  	_ =	shalt  }
0x6d: {  	_ =	shalt  }
0x6e: {  	_ =	shalt  }
0x6f: {  	_ =	shalt  }
0x70: {  	_ =	shalt  }
0x71: {  	_ =	shalt  }
0x72: {  	_ =	shalt  }
0x73: {  	_ =	shalt  }
0x74: {  	_ =	shalt  }
0x75: {  	_ =	shalt  }
0x76: {  	_ =	shalt  }
0x77: {  	_ =	shalt  }
0x78: {  	_ =	shalt  }
0x79: {  	_ =	shalt  }
0x7a: {  	_ =	shalt  }
0x7b: {  	_ =	shalt  }
0x7c: {  	_ =	shalt  }
0x7d: {  	_ =	shalt  }
0x7e: {  	_ =	shalt  }
0x7f: {  	_ =	shalt  }
0x80: {  	_ =	shalt  }
0x81: {  	_ =	shalt  }
0x82: {  	_ =	shalt  }
0x83: {  	_ =	shalt  }
0x84: {  	_ =	shalt  }
0x85: {  	_ =	shalt  }
0x86: {  	_ =	shalt  }
0x87: {  	_ =	shalt  }
.Lfunc_end0:
.L_simem_size_0:
called_computation_lowered:
.L_overlay_start_0:
0x88: {  	s2 =	sld [smem:$0x3FD9]  }
0x89: {  	s3 =	sld [smem:$0x3FFE];
	_ =	sdelay $0x1  }
0x8a: {  	s1 =	srdreg.scid  }
0x8b: {  	s0 =	sand.u32 $0x1, s1  }
0x8c: {  	s14 =	sshll.u32 s0, $0xA;
	s2 =	sadd.s32 s3, s2  }
0x8d: {  	s2 =	sadd.s32 s2, s14  }
0x8e: {  	[smem:$0x3FC5] =	sst s2  }
0x8f: {  	_ = 	snop  }
0x90: {  	s2 =	sld [smem:$0x3FD0];
	_ =	sdelay $0x2  }
0x91: {  	s4 =	simm.s32 $0xA;
	s5 =	simm.s32 $0x10;
	s15 =	sld [smem:$0x3FC8]  }
0x92: {  	[smem:s5], [sflag:s4] =	dma.local [hbm:s2], $0x1  }
0x93: {  	_ =	swait.eq [sflag:s4], $0x1  }
0x94: {  	[sflag:s4] =	ssyncset.done $0x0  }
0x95: {  	s16 =	sld [smem:$0x10];
	[sflag:s4] =	ssyncadd.s32 $0xFFFFFFFF  }
0x96: {  	s17 =	sld [smem:$0x11];
	(tm) =	ssettm $0x1  }
0x97: {  	s18 =	sld [smem:$0x3FFB];
	_ =	sdelay $0x3  }
0x98: {  	_ =	strace s18  }
0x99: {  	s5 =	sld [smem:$0x3FFC];
	_ =	sdelay $0x3  }
0x9a: {  	_ =	strace s5  }
0x9b: {  	s5 =	sld [smem:$0x3FFD];
	_ =	sdelay $0x3  }
0x9c: {  	_ =	strace s5  }
0x9d: {  	_ =	strace $0x8FFFFFFF  }
0x9e: {  	s19 =	sld [smem:$0x3FDB];
	_ =	sdelay $0x1  }
0x9f: {  	s6 =	simm.s32 $_scs_section_size  }
0xa0: {  	s7 =	simm.s32 $_size__tile_overlayer_lowered;
	s8 =	simm.s32 $_tile_overlayer_lowered  }
0xa1: {  	s22 =	simm.s32 $0x1BFF;
	s21 =	sshll.u32 s8, $0x1;
	s5 =	sadd.s32 s6, s19  }
0xa2: {  	s9 =	simm.s32 $0x0;
	s20 =	sshll.u32 s7, $0x1;
	s7 =	sadd.s32 s21, s5  }
0xa3: {  	[timem:s9], [sflag:s22] =	dma.local [hbm:s7], s20  }
0xa4: {  	_ =	swait.ge [sflag:s22], s20  }
0xa5: {  	s6 =	ssub.s32 $0x0, s20;
	[sflag:s22] =	ssyncset.done $0x0  }
0xa6: {  	[sflag:s22] =	ssyncadd.s32 s6;
	_ =	sdelay $0x1  }
0xa7: {  	s23 =	simm.s32 $0x1B8B  }
0xa8: {  	_ =	swait.ge [sflag:s23], $0x1  }
0xa9: {  	[sflag:s23] =	ssyncset.done $0x0  }
0xaa: {  	s25 =	simm.s32 $0x1B8E;
	s24 =	sld [smem:$0x3FFE];
	[sflag:s23] =	ssyncadd.s32 $0xFFFFFFFF  }
0xab: {  	s26 =	simm.s32 $execute0_lowered;
	[smem:$0x3FD2] =	sst s25  }
0xac: {  	s7 =	sshll.u32 s26, $0x1;
	_ =	strace $0x80000046;
	[dreg:$0x1] =	wrdreg $0xFFFFFFFF  }
0xad: {  	s28 =	simm.s32 $_size_execute0_lowered;
	s5 =	sadd.s32 s5, s7;
	[dreg:$0x0] =	wrdreg $0x0  }
0xae: {  	s7 =	sshll.u32 s28, $0x1;
	[dreg:$0x2] =	wrdreg s5  }
0xaf: {  	[dreg:$0x3] =	wrdreg s7  }
0xb0: {  	[dreg:$0x4] =	wrdreg $0xC0  }
0xb1: {  	_ =	task [dreg:s9], $0x5FFFF  }
0xb2: {  	[dreg:$0x1] =	wrdreg $0xFFFFFFFF  }
0xb3: {  	[dreg:$0x0] =	wrdreg $0x60  }
0xb4: {  	[dreg:$0x2] =	wrdreg s24  }
0xb5: {  	[dreg:$0x3] =	wrdreg s15  }
0xb6: {  	[dreg:$0x4] =	wrdreg s16  }
0xb7: {  	[dreg:$0x5] =	wrdreg s17  }
0xb8: {  	[dreg:$0x6] =	wrdreg $0x9  }
0xb9: {  	_ =	task.clear_ibuf [dreg:s9], $0x7FFFF;
	_ =	strace $0x90000046  }
0xba: {  	s29 =	simm.s32 $0x9;
	_ =	strace $0x80000048  }
0xbb: {  	_ =	swait.ge [sflag:s29], $0x1  }
0xbc: {  	[sflag:s29] =	ssyncadd.s32 $0xFFFFFFFF  }
0xbd: {  	_ =	strace $0x90000048  }
0xbe: {  	_ =	sfence  }
0xbf: {  	s30 =	sld [smem:$0x0];
	_ =	sdelay $0x2  }
0xc0: {  	s31 =	sshll.u32 s1, $0xD;
	s1 =	sshrl.u32 s1, $0x2  }
0xc1: {  	s3 =	sand.u32 $0x4000, s31;
	s1 =	sadd.s32 s1, s30  }
0xc2: {  	s0 =	sor.u32 s3, s0;
	s1 =	sshll.u32 s1, $0x11  }
0xc3: {  	s0 =	sor.u32 s1, s0  }
0xc4: {  	s0 =	sadd.s32 $0x8F2B, s0  }
0xc5: {  	[sflag:s0] =	ssyncadd.remote.s32 $0x1  }
0xc6: {  	_ =	sfence.sel $0xFFFF  }
0xc7: {  	[dreg:$0x0] =	wrdreg $0xFFFFFFFF;
	(pc) =	sbr.abs _section_cstart, $3  }
0xc8: {  	[dreg:$0x1] =	wrdreg $0xFFFFFFFF  }
0xc9: {  	_ =	task.clear_ibuf [dreg:s9], $0x2FFFF;
	_ =	strace $0x9FFFFFFF  }
0xca: {  	(tm) =	ssettm $0x7FFFFFFF  }
0xcb: {  	_ =	shalt  }
tec
execute0_lowered:
.L_overlay_start_1:
0x0: {  	(tag) =	ssettag $0x1  }
0x1: {  	s0 =	rddreg [dreg:$0x0]  }
0x2: {  	s2 =	rddreg [dreg:$0x1]  }
0x3: {  	s1 =	rddreg [dreg:$0x2]  }
0x4: {  	v0 =	vimm.s32 $0xFEDCBA98;
	v1 =	vimm.s32 $0x76543210;
	s9 =	rddreg [dreg:$0x3]  }
0x5: {  	s3 =	srdreg.scid;
	s5 =	stileid.u32;
	v2 =	vimm.s32 $0xBA98FEDC;
	v3 =	vimm.s32 $0x32107654;
	v4 =	vimm.s32 $0xDCFE98BA;
	s12 =	simm.s32 $0x3  }
0x6: {  	v5 =	vimm.s32 $0x54761032;
	v6 =	vimm.s32 $0xEFCDAB89;
	s13 =	simm.s32 $0x10000;
	s14 =	simm.s32 $0x1;
	s15 =	simm.s32 $0x8000  }
0x7: {  	v7 =	vimm.s32 $0x67452301;
	s16 =	simm.s32 $0x2;
	s17 =	simm.s32 $0x10200;
	s18 =	simm.s32 $0x0;
	v0 =	vunpack.c.l.s4.s8 v0;
	v1 =	vunpack.c.l.s4.s8 v1  }
0x8: {  	s4 =	sand.u32 $0x1, s3;
	s3 =	simm.s32 $0x0;
	s5 =	sshll.u32 s5, $0xA;
	v2 =	vunpack.c.l.s4.s8 v2;
	v3 =	vunpack.c.l.s4.s8 v3;
	v4 =	vunpack.c.l.s4.s8 v4  }
0x9: {  	v5 =	vunpack.c.l.s4.s8 v5;
	v6 =	vunpack.c.l.s4.s8 v6;
	v7 =	vunpack.c.l.s4.s8 v7;
	s6 =	sshll.u32 s4, $0x9;
	[smem:$0x7FF] =	sst s3;
	s4 =	ssub.s32 $0x2, s4  }
0xa: {  	v0 =	vunpack.c.0.s8.s32 v0;
	v1 =	vunpack.c.0.s8.s32 v1;
	s5 =	sor.u32 s6, s5;
	_ =	strace $0x80000047;
	s7 =	sshrl.u32 s4, $0x1;
	v2 =	vunpack.c.0.s8.s32 v2  }
0xb: {  	v3 =	vunpack.c.0.s8.s32 v3;
	v4 =	vunpack.c.0.s8.s32 v4;
	v5 =	vunpack.c.0.s8.s32 v5;
	s6 =	sshll.u32 s5, $0x5;
	s10 =	ssub.s32 s4, s7;
	s11 =	sshrl.u32 s5, $0x3  }
0xc: {  	v6 =	vunpack.c.0.s8.s32 v6;
	v7 =	vunpack.c.0.s8.s32 v7;
	v0 =	vand.u32 $0xF, v0;
	s0 =	sadd.s32 s6, s0;
	s4 =	sadd.s32 s2, s11;
	s9 =	sadd.s32 s9, s11  }
0xd: {  	vm0 =	vmmov $0xff;
	s10 =	smax.u32 s10, $0x1;
	s11 =	simm.s32 $0x10400;
	s5 =	sadd.s32 $0x1600, s0;
	v0 =	vcombine.low v0, v1;
	v1 =	vcombine.low v3, v2  }
0xe: {  	s6 =	sadd.s32 $0x2600, s0;
	s7 =	sadd.s32 $0x3600, s0;
	s8 =	sadd.s32 $0x4600, s0;
	v2 =	vcombine.low v5, v4;
	v3 =	vcombine.low v7, v6;
	v4 =	vlaneseq.u32  }
.LBB2_1:
0xf: {  	[tilespmem:s11], [sflag:$0x3] =	stream.linear.gather [hbm4b:s1+s3], $0x80, $0x38;
	[tilespmem:$0x10480] =	vst v63  }
0x10: {  	_ =	swait.ge [sflag:s12], $0x80  }
0x11: {  	[sflag:s12] =	ssyncset.done $0x0  }
0x12: {  	[sflag:s12] =	ssyncadd.s32 $0xFFFFFF80  }
0x13: {  	[tilespmem:s13], [sflag:$0x3] =	stream.linear.gather [hbm4b:s4+s3], $0x200, $0x38;
	[tilespmem:$0x10480] =	vst v63  }
0x14: {  	_ =	swait.ge [sflag:s12], $0x200  }
0x15: {  	[sflag:s12] =	ssyncset.done $0x0  }
0x16: {  	[sflag:s12] =	ssyncadd.s32 $0xFFFFFE00  }
0x17: {  	v5 =	vld [tilespmem:$0x10400];
	[tilespmem:s3], [sflag:$0x1] =	stream.linear.gather [hbm4b:s5+s3], $0x8000, $0x38  }
0x18: {  	_ =	swait.ge [sflag:s14], $0x8000  }
0x19: {  	[sflag:s14] =	ssyncset.done $0x0  }
0x1a: {  	s19 =	simm.s32 $0x0;
	s20 =	simm.s32 $0x0;
	[sflag:s14] =	ssyncadd.s32 $0xFFFF8000  }
0x1b: {  	[tilespmem:s15], [sflag:$0x2] =	stream.linear.gather [hbm4b:s6+s3], $0x8000, $0x38;
	[tilespmem:$0x10480] =	vst v63  }
.LBB2_2:
0x1c: {  	s21 =	simm.s32 $0x0  }
0x1d: {  	s0 =	sand.u32 $0x7800, s19;
	s2 =	sand.u32 $0x380, s21  }
0x1e: {  	s0 =	sor.u32 s2, s0  }
0x1f: {  	v6 =	vld [tilespmem:s0+$0x0];
	_ =	sdelay $0x1  }
0x20: {  	v7 =	vld [tilespmem:s0+$0x10];
	_ =	sdelay $0x1  }
0x21: {  	v8 =	vld [tilespmem:s0+$0x20]  }
0x22: {  	v6 =	vperm.xlane v5, v6  }
0x23: {  	v9 =	vld [tilespmem:s0+$0x30]  }
0x24: {  	v7 =	vperm.xlane v5, v7;
	v6 =	vadd.f32 $0.0e+00, v6  }
0x25: {  	v10 =	vld [tilespmem:s0+$0x40]  }
0x26: {  	v11 =	vld [tilespmem:s0+$0x430];
	v6 =	vadd.f32 v7, v6;
	v7 =	vperm.xlane v5, v8  }
0x27: {  	s25 =	simm.s32 $0x80;
	s23 =	sadd.s32 $0x100, s19;
	v8 =	vld [tilespmem:s0+$0x50]  }
0x28: {  	s22 =	sand.u32 $0x7800, s23;
	s2 =	sand.u32 $0x380, s25;
	v12 =	vld [tilespmem:s0+$0x420];
	v6 =	vadd.f32 v7, v6;
	v7 =	vperm.xlane v5, v9  }
0x29: {  	s22 =	sor.u32 s2, s22;
	v9 =	vld [tilespmem:s0+$0x60]  }
0x2a: {  	v13 =	vld [tilespmem:s22+$0x0];
	v10 =	vperm.xlane v5, v10;
	v6 =	vadd.f32 v7, v6  }
0x2b: {  	v7 =	vld [tilespmem:s0+$0x70]  }
0x2c: {  	v14 =	vld [tilespmem:s22+$0x10];
	v8 =	vperm.xlane v5, v8;
	v6 =	vadd.f32 v10, v6  }
0x2d: {  	v10 =	vld [tilespmem:s0+$0x400]  }
0x2e: {  	v15 =	vld [tilespmem:s22+$0x20];
	v9 =	vperm.xlane v5, v9;
	v6 =	vadd.f32 v8, v6  }
0x2f: {  	v8 =	vperm.xlane v5, v13;
	v13 =	vld [tilespmem:s0+$0x410]  }
0x30: {  	v16 =	vld [tilespmem:s22+$0x30];
	s0 =	sor.u32 $0x440, s0;
	v7 =	vperm.xlane v5, v7;
	v6 =	vadd.f32 v9, v6  }
0x31: {  	v17 =	vld.msk [tilespmem:s0+$0x0], $0xff;
	v8 =	vadd.f32 $0.0e+00, v8;
	v9 =	vperm.xlane v5, v14  }
0x32: {  	v14 =	vld [tilespmem:s22+$0x40];
	v10 =	vperm.xlane v5, v10;
	v6 =	vadd.f32 v7, v6  }
0x33: {  	v18 =	vld [tilespmem:s22+$0x400];
	v8 =	vadd.f32 v9, v8;
	v9 =	vperm.xlane v5, v15  }
0x34: {  	s26 =	simm.s32 $0x100;
	s2 =	sadd.s32 $0x100, s23;
	v15 =	vld [tilespmem:s22+$0x50];
	v6 =	vadd.f32 v10, v6;
	v10 =	vperm.xlane v5, v13  }
0x35: {  	s23 =	sand.u32 $0x7800, s2;
	v19 =	vld [tilespmem:s22+$0x410];
	s0 =	sand.u32 $0x380, s26;
	v9 =	vadd.f32 v9, v8;
	v13 =	vperm.xlane v5, v16  }
0x36: {  	s26 =	sor.u32 s0, s23;
	v16 =	vld [tilespmem:s22+$0x60];
	v6 =	vadd.f32 v10, v6;
	v10 =	vperm.xlane v5, v12  }
0x37: {  	v12 =	vperm.xlane v5, v14;
	v14 =	vld [tilespmem:s26+$0x0];
	v9 =	vadd.f32 v13, v9;
	v13 =	vperm.xlane v5, v17  }
0x38: {  	v17 =	vld [tilespmem:s22+$0x70];
	v6 =	vadd.f32 v10, v6;
	v10 =	vperm.xlane v5, v11  }
0x39: {  	v11 =	vperm.xlane v5, v15;
	v15 =	vld [tilespmem:s26+$0x10];
	v9 =	vadd.f32 v12, v9;
	v12 =	vperm.xlane v13, v0  }
0x3a: {  	v7 =	vld [tilespmem:s22+$0x430];
	v6 =	vadd.f32 v10, v6  }
0x3b: {  	v10 =	vperm.xlane v5, v16;
	v16 =	vld [tilespmem:s26+$0x20];
	v9 =	vadd.f32 v11, v9;
	v11 =	vsel vm0, $0x0, v12  }
0x3c: {  	v8 =	vld [tilespmem:s22+$0x420];
	v12 =	vperm.xlane v5, v14;
	v6 =	vadd.f32 v11, v6  }
0x3d: {  	v11 =	vld [tilespmem:s26+$0x30];
	v9 =	vadd.f32 v10, v9;
	v10 =	vperm.xlane v5, v17  }
0x3e: {  	s31 =	sor.u32 $0x440, s22;
	v13 =	vld [tilespmem:s26+$0x40];
	v14 =	vadd.f32 $0.0e+00, v12;
	v15 =	vperm.xlane v5, v15;
	v17 =	vperm.xlane v6, v0  }
0x3f: {  	v18 =	vperm.xlane v5, v18;
	v12 =	vld.msk [tilespmem:s31+$0x0], $0xff;
	v20 =	vadd.f32 v10, v9  }
0x40: {  	s24 =	simm.s32 $0x1;
	s28 =	simm.s32 $0x180;
	s30 =	simm.s32 $0x4;
	v15 =	vadd.f32 v15, v14;
	v21 =	vperm.xlane v5, v16;
	v14 =	vld [tilespmem:s26+$0x50];
	v9 =	vadd.f32 v6, v17  }
0x41: {  	s25 =	simm.s32 $0x3;
	s29 =	sadd.s32 $0x100, s2;
	s2 =	sand.u32 $0x380, s28;
	v10 =	vld [tilespmem:s26+$0x430];
	v6 =	vimm.f32 $0.0e+00;
	v16 =	vadd.f32 v18, v20;
	v17 =	vperm.xlane v5, v19  }
0x42: {  	s23 =	simm.s32 $0x2;
	s0 =	sand.u32 $0x7800, s29;
	s22 =	sshll.u32 s20, $0x4;
	v18 =	vadd.f32 v21, v15;
	v19 =	vperm.xlane v5, v11;
	v15 =	vld [tilespmem:s26+$0x60];
	v11 =	vperm.xlane v9, v1  }
.LBB2_3:
0x43: {  	p0 =	sne.s32 s30, $0xF;
	s0 =	sor.u32 s2, s0;
	v13 =	vperm.xlane v5, v13;
	v16 =	vadd.f32 v17, v16;
	v17 =	vperm.xlane v5, v8;
	v8 =	vld [tilespmem:s26+$0x420]  }
0x44: {  	v20 =	vld [tilespmem:s0+$0x0];
	v18 =	vadd.f32 v19, v18;
	v12 =	vperm.xlane v5, v12;
	v9 =	vadd.f32 v9, v11  }
0x45: {  	v11 =	vperm.xlane v5, v14;
	v14 =	vld [tilespmem:s26+$0x70];
	v16 =	vadd.f32 v17, v16;
	v17 =	vperm.xlane v5, v7  }
0x46: {  	v19 =	vld [tilespmem:s0+$0x10];
	v13 =	vadd.f32 v13, v18;
	v12 =	vperm.xlane v12, v0;
	v18 =	vperm.xlane v9, v2;
	v7 =	vmovc v10  }
0x47: {  	v10 =	vperm.xlane v5, v15;
	v15 =	vld [tilespmem:s26+$0x400];
	v16 =	vadd.f32 v17, v16;
	v17 =	vmov s21;
	s21 =	smov.u32 s24;
	s24 =	smov.u32 s23;
	s23 =	smov.u32 s25  }
0x48: {  	s25 =	smov.u32 s30;
	v21 =	vld [tilespmem:s0+$0x20];
	v11 =	vadd.f32 v11, v13;
	v12 =	vsel vm0, $0x0, v12;
	v9 =	vadd.f32 v9, v18  }
0x49: {  	vm1 =	veq.s32 v17, v4;
	v13 =	vperm.xlane v5, v20;
	v18 =	vld [tilespmem:s26+$0x410];
	v16 =	vadd.f32 v12, v16  }
0x4a: {  	v20 =	vld [tilespmem:s0+$0x30];
	v10 =	vadd.f32 v10, v11;
	v11 =	vperm.xlane v5, v14;
	v14 =	vperm.xlane v9, v3  }
.Ltmp0:
0x4b: {  	s2 =	sor.u32 $0x440, s26;
	s26 =	smov.u32 s0;
	v17 =	vadd.f32 $0.0e+00, v13;
	v19 =	vperm.xlane v5, v19;
	v13 =	vld [tilespmem:s0+$0x40];
	v22 =	vperm.xlane v16, v0;
	(pc) =	sbr.rel @p0 .LBB2_3-.Ltmp0, $4  }
0x4c: {  	v11 =	vadd.f32 v11, v10;
	v15 =	vperm.xlane v5, v15;
	v12 =	vld.msk [tilespmem:s2+$0x0], $0xff;
	v23 =	vadd.f32 v9, v14  }
0x4d: {  	v19 =	vadd.f32 v19, v17;
	v21 =	vperm.xlane v5, v21;
	v14 =	vld [tilespmem:s26+$0x50];
	v9 =	vadd.f32 v16, v22  }
0x4e: {  	s28 =	sadd.s32 $0x80, s28;
	s29 =	sadd.s32 $0x100, s29;
	v10 =	vld [tilespmem:s26+$0x430];
	v16 =	vadd.f32 v15, v11;
	v17 =	vperm.xlane v5, v18;
	v6 =	vsel vm1, v23, v6  }
0x4f: {  	s30 =	sadd.s32 $0x1, s30;
	s0 =	sand.u32 $0x7800, s29;
	s2 =	sand.u32 $0x380, s28;
	v18 =	vadd.f32 v21, v19;
	v19 =	vperm.xlane v5, v20;
	v15 =	vld [tilespmem:s26+$0x60];
	v11 =	vperm.xlane v9, v1  }
0x50: {  	s0 =	sor.u32 s2, s0  }
0x51: {  	v20 =	vld [tilespmem:s0+$0x0];
	_ =	sdelay $0x1  }
0x52: {  	v21 =	vld [tilespmem:s0+$0x10];
	_ =	sdelay $0x1  }
0x53: {  	v22 =	vld [tilespmem:s0+$0x20]  }
0x54: {  	v20 =	vperm.xlane v5, v20  }
0x55: {  	v23 =	vld [tilespmem:s0+$0x30]  }
0x56: {  	v21 =	vperm.xlane v5, v21;
	v20 =	vadd.f32 $0.0e+00, v20  }
0x57: {  	v24 =	vld [tilespmem:s0+$0x40]  }
0x58: {  	v27 =	vperm.xlane v5, v22;
	v20 =	vadd.f32 v21, v20  }
0x59: {  	v28 =	vld [tilespmem:s0+$0x50]  }
0x5a: {  	v29 =	vld [tilespmem:s26+$0x420];
	v23 =	vperm.xlane v5, v23;
	v20 =	vadd.f32 v27, v20  }
0x5b: {  	v13 =	vperm.xlane v5, v13;
	v18 =	vadd.f32 v19, v18;
	v30 =	vld [tilespmem:s0+$0x60]  }
0x5c: {  	v31 =	vld [tilespmem:s26+$0x70];
	v24 =	vperm.xlane v5, v24;
	v20 =	vadd.f32 v23, v20  }
0x5d: {  	v32 =	vld [tilespmem:s0+$0x70];
	v14 =	vperm.xlane v5, v14;
	v13 =	vadd.f32 v13, v18  }
0x5e: {  	v33 =	vld [tilespmem:s26+$0x400];
	v22 =	vperm.xlane v5, v28;
	v20 =	vadd.f32 v24, v20  }
0x5f: {  	v34 =	vld [tilespmem:s0+$0x400];
	v15 =	vperm.xlane v5, v15;
	v13 =	vadd.f32 v14, v13  }
0x60: {  	v16 =	vadd.f32 v17, v16;
	v36 =	vld [tilespmem:s26+$0x410];
	v19 =	vperm.xlane v5, v30;
	v35 =	vadd.f32 v22, v20  }
0x61: {  	v8 =	vperm.xlane v5, v8;
	s30 =	sor.u32 $0x440, s26;
	v38 =	vld [tilespmem:s0+$0x410];
	v37 =	vperm.xlane v5, v31;
	v13 =	vadd.f32 v15, v13  }
0x62: {  	v7 =	vperm.xlane v5, v7;
	v40 =	vld.msk [tilespmem:s30+$0x0], $0xff;
	v18 =	vperm.xlane v5, v32;
	v39 =	vadd.f32 v19, v35  }
0x63: {  	v12 =	vperm.xlane v5, v12;
	v42 =	vld [tilespmem:s0+$0x420];
	s31 =	sor.u32 $0x440, s0;
	v41 =	vperm.xlane v5, v33;
	v13 =	vadd.f32 v37, v13  }
0x64: {  	v8 =	vadd.f32 v8, v16;
	v43 =	vld.msk [tilespmem:s31+$0x0], $0xff;
	v14 =	vperm.xlane v5, v34;
	v16 =	vadd.f32 v18, v39  }
0x65: {  	v44 =	vld [tilespmem:s0+$0x430];
	v12 =	vperm.xlane v12, v0;
	v13 =	vadd.f32 v41, v13;
	v20 =	vperm.xlane v5, v36  }
0x66: {  	v10 =	vperm.xlane v5, v10;
	v46 =	vperm.xlane v5, v38;
	v45 =	vadd.f32 v14, v16  }
0x67: {  	v7 =	vadd.f32 v7, v8;
	v47 =	vperm.xlane v5, v29;
	v13 =	vadd.f32 v20, v13  }
0x68: {  	v17 =	vperm.xlane v5, v40;
	v48 =	vperm.xlane v5, v42;
	v8 =	vadd.f32 v46, v45  }
0x69: {  	v12 =	vsel vm0, $0x0, v12;
	v49 =	vperm.xlane v5, v43;
	v13 =	vadd.f32 v47, v13  }
0x6a: {  	v50 =	vperm.xlane v5, v44;
	v17 =	vperm.xlane v17, v0;
	v8 =	vadd.f32 v48, v8  }
0x6b: {  	v7 =	vadd.f32 v12, v7;
	v51 =	vperm.xlane v49, v0;
	v10 =	vadd.f32 v10, v13  }
0x6c: {  	v52 =	vsel vm0, $0x0, v17;
	v8 =	vadd.f32 v50, v8  }
0x6d: {  	v53 =	vperm.xlane v7, v0;
	v12 =	vsel vm0, $0x0, v51;
	v10 =	vadd.f32 v52, v10  }
0x6e: {  	v8 =	vadd.f32 v12, v8  }
0x6f: {  	v7 =	vadd.f32 v7, v53;
	v54 =	vperm.xlane v10, v0  }
0x70: {  	v55 =	vperm.xlane v8, v0  }
0x71: {  	v14 =	vperm.xlane v7, v1;
	v10 =	vadd.f32 v10, v54  }
0x72: {  	v9 =	vadd.f32 v9, v11;
	v8 =	vadd.f32 v8, v55  }
0x73: {  	v7 =	vadd.f32 v7, v14;
	v56 =	vperm.xlane v10, v1  }
0x74: {  	v57 =	vperm.xlane v9, v2;
	v13 =	vperm.xlane v8, v1  }
0x75: {  	v14 =	vperm.xlane v7, v2;
	v10 =	vadd.f32 v10, v56  }
0x76: {  	v9 =	vadd.f32 v9, v57;
	v8 =	vadd.f32 v8, v13  }
0x77: {  	v7 =	vadd.f32 v7, v14;
	v11 =	vperm.xlane v10, v2  }
0x78: {  	v12 =	vperm.xlane v9, v3;
	v13 =	vperm.xlane v8, v2  }
0x79: {  	v58 =	vmov s21;
	v59 =	vperm.xlane v7, v3;
	v10 =	vadd.f32 v10, v11  }
0x7a: {  	v60 =	vmov s24;
	v9 =	vadd.f32 v9, v12;
	v8 =	vadd.f32 v8, v13  }
0x7b: {  	vm1 =	veq.s32 v58, v4;
	v7 =	vadd.f32 v7, v59;
	v61 =	vperm.xlane v10, v3  }
0x7c: {  	v63 =	vld [tilespmem:s22+$0x10000];
	v6 =	vsel vm1, v9, v6;
	vm1 =	veq.s32 v60, v4;
	v62 =	vperm.xlane v8, v3  }
0x7d: {  	s20 =	sadd.s32 $0x1, s20;
	v6 =	vsel vm1, v7, v6;
	v7 =	vmov s23;
	v10 =	vadd.f32 v10, v61  }
0x7e: {  	p0 =	sne.s32 s20, $0x8;
	vm1 =	veq.s32 v7, v4;
	v7 =	vmov s25;
	v8 =	vadd.f32 v8, v62  }
.Ltmp1:
0x7f: {  	v6 =	vsel vm1, v10, v6;
	vm1 =	veq.s32 v7, v4;
	(pc) =	sbr.rel @p0 .LBB2_2-.Ltmp1, $3  }
0x80: {  	v6 =	vsel vm1, v8, v6  }
0x81: {  	v6 =	vadd.f32 v63, v6;
	_ =	sdelay $0x1  }
0x82: {  	s19 =	sadd.s32 $0x1000, s19;
	[tilespmem:s22+$0x10200] =	vst v6  }
0x83: {  	_ =	swait.ge [sflag:s16], $0x8000  }
0x84: {  	s19 =	simm.s32 $0x0;
	[sflag:s16] =	ssyncset.done $0x0  }
0x85: {  	s20 =	simm.s32 $0x0;
	s21 =	simm.s32 $0x0;
	[sflag:s16] =	ssyncadd.s32 $0xFFFF8000  }
0x86: {  	[tilespmem:s19], [sflag:$0x1] =	stream.linear.gather [hbm4b:s7+s19], $0x8000, $0x38;
	[tilespmem:$0x10480] =	vst v63  }
.LBB2_6:
0x87: {  	s0 =	sand.u32 $0x7800, s20;
	s2 =	sand.u32 $0x380, s19  }
0x88: {  	s0 =	sor.u32 s2, s0  }
0x89: {  	v6 =	vld [tilespmem:s0+$0x8000];
	_ =	sdelay $0x1  }
0x8a: {  	v7 =	vld [tilespmem:s0+$0x8010];
	_ =	sdelay $0x1  }
0x8b: {  	v8 =	vld [tilespmem:s0+$0x8020]  }
0x8c: {  	v6 =	vperm.xlane v5, v6  }
0x8d: {  	v9 =	vld [tilespmem:s0+$0x8030]  }
0x8e: {  	v7 =	vperm.xlane v5, v7;
	v6 =	vadd.f32 $0.0e+00, v6  }
0x8f: {  	v10 =	vld [tilespmem:s0+$0x8040]  }
0x90: {  	v11 =	vld [tilespmem:s0+$0x8430];
	v6 =	vadd.f32 v7, v6;
	v7 =	vperm.xlane v5, v8  }
0x91: {  	s26 =	simm.s32 $0x80;
	s23 =	sadd.s32 $0x100, s20;
	v8 =	vld [tilespmem:s0+$0x8050]  }
0x92: {  	s22 =	sand.u32 $0x7800, s23;
	s2 =	sand.u32 $0x380, s26;
	v12 =	vld [tilespmem:s0+$0x8420];
	v6 =	vadd.f32 v7, v6;
	v7 =	vperm.xlane v5, v9  }
0x93: {  	s22 =	sor.u32 s2, s22;
	v9 =	vld [tilespmem:s0+$0x8060]  }
0x94: {  	v13 =	vld [tilespmem:s22+$0x8000];
	v10 =	vperm.xlane v5, v10;
	v6 =	vadd.f32 v7, v6  }
0x95: {  	v7 =	vld [tilespmem:s0+$0x8070]  }
0x96: {  	v14 =	vld [tilespmem:s22+$0x8010];
	v8 =	vperm.xlane v5, v8;
	v6 =	vadd.f32 v10, v6  }
0x97: {  	v10 =	vld [tilespmem:s0+$0x8400]  }
0x98: {  	v15 =	vld [tilespmem:s22+$0x8020];
	v9 =	vperm.xlane v5, v9;
	v6 =	vadd.f32 v8, v6  }
0x99: {  	v8 =	vperm.xlane v5, v13;
	v13 =	vld [tilespmem:s0+$0x8410]  }
0x9a: {  	v16 =	vld [tilespmem:s22+$0x8030];
	s0 =	sor.u32 $0x8440, s0;
	v7 =	vperm.xlane v5, v7;
	v6 =	vadd.f32 v9, v6  }
0x9b: {  	v17 =	vld.msk [tilespmem:s0+$0x0], $0xff;
	v8 =	vadd.f32 $0.0e+00, v8;
	v9 =	vperm.xlane v5, v14  }
0x9c: {  	v14 =	vld [tilespmem:s22+$0x8040];
	v10 =	vperm.xlane v5, v10;
	v6 =	vadd.f32 v7, v6  }
0x9d: {  	v18 =	vld [tilespmem:s22+$0x8400];
	v8 =	vadd.f32 v9, v8;
	v9 =	vperm.xlane v5, v15  }
0x9e: {  	s24 =	simm.s32 $0x100;
	s25 =	sadd.s32 $0x100, s23;
	v15 =	vld [tilespmem:s22+$0x8050];
	v6 =	vadd.f32 v10, v6;
	v10 =	vperm.xlane v5, v13  }
0x9f: {  	s23 =	sand.u32 $0x7800, s25;
	v19 =	vld [tilespmem:s22+$0x8410];
	s0 =	sand.u32 $0x380, s24;
	v9 =	vadd.f32 v9, v8;
	v13 =	vperm.xlane v5, v16  }
0xa0: {  	s28 =	sor.u32 s0, s23;
	v16 =	vld [tilespmem:s22+$0x8060];
	v6 =	vadd.f32 v10, v6;
	v10 =	vperm.xlane v5, v12  }
0xa1: {  	v12 =	vperm.xlane v5, v14;
	v14 =	vld [tilespmem:s28+$0x8000];
	v9 =	vadd.f32 v13, v9;
	v13 =	vperm.xlane v5, v17  }
0xa2: {  	v17 =	vld [tilespmem:s22+$0x8070];
	v6 =	vadd.f32 v10, v6;
	v10 =	vperm.xlane v5, v11  }
0xa3: {  	v11 =	vperm.xlane v5, v15;
	v15 =	vld [tilespmem:s28+$0x8010];
	v9 =	vadd.f32 v12, v9;
	v12 =	vperm.xlane v13, v0  }
0xa4: {  	v7 =	vld [tilespmem:s22+$0x8430];
	v6 =	vadd.f32 v10, v6  }
0xa5: {  	v10 =	vperm.xlane v5, v16;
	v16 =	vld [tilespmem:s28+$0x8020];
	v9 =	vadd.f32 v11, v9;
	v11 =	vsel vm0, $0x0, v12  }
0xa6: {  	v8 =	vld [tilespmem:s22+$0x8420];
	v12 =	vperm.xlane v5, v14;
	v6 =	vadd.f32 v11, v6  }
0xa7: {  	v11 =	vld [tilespmem:s28+$0x8030];
	v9 =	vadd.f32 v10, v9;
	v10 =	vperm.xlane v5, v17  }
0xa8: {  	s26 =	sor.u32 $0x8440, s22;
	v13 =	vld [tilespmem:s28+$0x8040];
	v14 =	vadd.f32 $0.0e+00, v12;
	v15 =	vperm.xlane v5, v15;
	v17 =	vperm.xlane v6, v0  }
0xa9: {  	s30 =	simm.s32 $0x180;
	v18 =	vperm.xlane v5, v18;
	v12 =	vld.msk [tilespmem:s26+$0x0], $0xff;
	v20 =	vadd.f32 v10, v9  }
0xaa: {  	s31 =	simm.s32 $0x4;
	s29 =	sadd.s32 $0x100, s25;
	s25 =	simm.s32 $0x3;
	v15 =	vadd.f32 v15, v14;
	v21 =	vperm.xlane v5, v16;
	v14 =	vld [tilespmem:s28+$0x8050];
	v9 =	vadd.f32 v6, v17  }
0xab: {  	s2 =	sand.u32 $0x380, s30;
	s24 =	simm.s32 $0x1;
	s23 =	simm.s32 $0x2;
	v10 =	vld [tilespmem:s28+$0x8430];
	v6 =	vimm.f32 $0.0e+00;
	v16 =	vadd.f32 v18, v20;
	v17 =	vperm.xlane v5, v19  }
0xac: {  	s0 =	sand.u32 $0x7800, s29;
	s22 =	sshll.u32 s21, $0x4;
	s26 =	simm.s32 $0x0;
	v18 =	vadd.f32 v21, v15;
	v19 =	vperm.xlane v5, v11;
	v15 =	vld [tilespmem:s28+$0x8060];
	v11 =	vperm.xlane v9, v1  }
.LBB2_7:
0xad: {  	p0 =	sne.s32 s31, $0xF;
	s0 =	sor.u32 s2, s0;
	v13 =	vperm.xlane v5, v13;
	v16 =	vadd.f32 v17, v16;
	v17 =	vperm.xlane v5, v8;
	v8 =	vld [tilespmem:s28+$0x8420]  }
0xae: {  	v20 =	vld [tilespmem:s0+$0x8000];
	v18 =	vadd.f32 v19, v18;
	v12 =	vperm.xlane v5, v12;
	v9 =	vadd.f32 v9, v11  }
0xaf: {  	v11 =	vperm.xlane v5, v14;
	v14 =	vld [tilespmem:s28+$0x8070];
	v16 =	vadd.f32 v17, v16;
	v17 =	vperm.xlane v5, v7  }
0xb0: {  	v19 =	vld [tilespmem:s0+$0x8010];
	v13 =	vadd.f32 v13, v18;
	v12 =	vperm.xlane v12, v0;
	v18 =	vperm.xlane v9, v2;
	v7 =	vmovc v10  }
0xb1: {  	v10 =	vperm.xlane v5, v15;
	v15 =	vld [tilespmem:s28+$0x8400];
	v16 =	vadd.f32 v17, v16;
	v17 =	vmov s26;
	s26 =	smov.u32 s24;
	s24 =	smov.u32 s23;
	s23 =	smov.u32 s25  }
0xb2: {  	s25 =	smov.u32 s31;
	v21 =	vld [tilespmem:s0+$0x8020];
	v11 =	vadd.f32 v11, v13;
	v12 =	vsel vm0, $0x0, v12;
	v9 =	vadd.f32 v9, v18  }
0xb3: {  	vm1 =	veq.s32 v17, v4;
	v13 =	vperm.xlane v5, v20;
	v18 =	vld [tilespmem:s28+$0x8410];
	v16 =	vadd.f32 v12, v16  }
0xb4: {  	v20 =	vld [tilespmem:s0+$0x8030];
	v10 =	vadd.f32 v10, v11;
	v11 =	vperm.xlane v5, v14;
	v14 =	vperm.xlane v9, v3  }
.Ltmp2:
0xb5: {  	s2 =	sor.u32 $0x8440, s28;
	s28 =	smov.u32 s0;
	v17 =	vadd.f32 $0.0e+00, v13;
	v19 =	vperm.xlane v5, v19;
	v13 =	vld [tilespmem:s0+$0x8040];
	v22 =	vperm.xlane v16, v0;
	(pc) =	sbr.rel @p0 .LBB2_7-.Ltmp2, $4  }
0xb6: {  	v11 =	vadd.f32 v11, v10;
	v15 =	vperm.xlane v5, v15;
	v12 =	vld.msk [tilespmem:s2+$0x0], $0xff;
	v23 =	vadd.f32 v9, v14  }
0xb7: {  	v19 =	vadd.f32 v19, v17;
	v21 =	vperm.xlane v5, v21;
	v14 =	vld [tilespmem:s28+$0x8050];
	v9 =	vadd.f32 v16, v22  }
0xb8: {  	s30 =	sadd.s32 $0x80, s30;
	s29 =	sadd.s32 $0x100, s29;
	v10 =	vld [tilespmem:s28+$0x8430];
	v16 =	vadd.f32 v15, v11;
	v17 =	vperm.xlane v5, v18;
	v6 =	vsel vm1, v23, v6  }
0xb9: {  	s31 =	sadd.s32 $0x1, s31;
	s0 =	sand.u32 $0x7800, s29;
	s2 =	sand.u32 $0x380, s30;
	v18 =	vadd.f32 v21, v19;
	v19 =	vperm.xlane v5, v20;
	v15 =	vld [tilespmem:s28+$0x8060];
	v11 =	vperm.xlane v9, v1  }
0xba: {  	s0 =	sor.u32 s2, s0  }
0xbb: {  	v20 =	vld [tilespmem:s0+$0x8000];
	_ =	sdelay $0x1  }
0xbc: {  	v21 =	vld [tilespmem:s0+$0x8010];
	_ =	sdelay $0x1  }
0xbd: {  	v22 =	vld [tilespmem:s0+$0x8020]  }
0xbe: {  	v20 =	vperm.xlane v5, v20  }
0xbf: {  	v23 =	vld [tilespmem:s0+$0x8030]  }
0xc0: {  	v21 =	vperm.xlane v5, v21;
	v20 =	vadd.f32 $0.0e+00, v20  }
0xc1: {  	v24 =	vld [tilespmem:s0+$0x8040]  }
0xc2: {  	v27 =	vperm.xlane v5, v22;
	v20 =	vadd.f32 v21, v20  }
0xc3: {  	v28 =	vld [tilespmem:s0+$0x8050]  }
0xc4: {  	v29 =	vld [tilespmem:s28+$0x8420];
	v23 =	vperm.xlane v5, v23;
	v20 =	vadd.f32 v27, v20  }
0xc5: {  	v13 =	vperm.xlane v5, v13;
	v18 =	vadd.f32 v19, v18;
	v30 =	vld [tilespmem:s0+$0x8060]  }
0xc6: {  	v31 =	vld [tilespmem:s28+$0x8070];
	v24 =	vperm.xlane v5, v24;
	v20 =	vadd.f32 v23, v20  }
0xc7: {  	v32 =	vld [tilespmem:s0+$0x8070];
	v14 =	vperm.xlane v5, v14;
	v13 =	vadd.f32 v13, v18  }
0xc8: {  	v33 =	vld [tilespmem:s28+$0x8400];
	v22 =	vperm.xlane v5, v28;
	v20 =	vadd.f32 v24, v20  }
0xc9: {  	v34 =	vld [tilespmem:s0+$0x8400];
	v15 =	vperm.xlane v5, v15;
	v13 =	vadd.f32 v14, v13  }
0xca: {  	v16 =	vadd.f32 v17, v16;
	v36 =	vld [tilespmem:s28+$0x8410];
	v19 =	vperm.xlane v5, v30;
	v35 =	vadd.f32 v22, v20  }
0xcb: {  	v8 =	vperm.xlane v5, v8;
	s30 =	sor.u32 $0x8440, s28;
	v38 =	vld [tilespmem:s0+$0x8410];
	v37 =	vperm.xlane v5, v31;
	v13 =	vadd.f32 v15, v13  }
0xcc: {  	v7 =	vperm.xlane v5, v7;
	v40 =	vld.msk [tilespmem:s30+$0x0], $0xff;
	v18 =	vperm.xlane v5, v32;
	v39 =	vadd.f32 v19, v35  }
0xcd: {  	v12 =	vperm.xlane v5, v12;
	v42 =	vld [tilespmem:s0+$0x8420];
	s31 =	sor.u32 $0x8440, s0;
	v41 =	vperm.xlane v5, v33;
	v13 =	vadd.f32 v37, v13  }
0xce: {  	v8 =	vadd.f32 v8, v16;
	v43 =	vld.msk [tilespmem:s31+$0x0], $0xff;
	v14 =	vperm.xlane v5, v34;
	v16 =	vadd.f32 v18, v39  }
0xcf: {  	v44 =	vld [tilespmem:s0+$0x8430];
	v12 =	vperm.xlane v12, v0;
	v13 =	vadd.f32 v41, v13;
	v20 =	vperm.xlane v5, v36  }
0xd0: {  	v10 =	vperm.xlane v5, v10;
	v46 =	vperm.xlane v5, v38;
	v45 =	vadd.f32 v14, v16  }
0xd1: {  	v7 =	vadd.f32 v7, v8;
	v47 =	vperm.xlane v5, v29;
	v13 =	vadd.f32 v20, v13  }
0xd2: {  	v17 =	vperm.xlane v5, v40;
	v48 =	vperm.xlane v5, v42;
	v8 =	vadd.f32 v46, v45  }
0xd3: {  	v12 =	vsel vm0, $0x0, v12;
	v49 =	vperm.xlane v5, v43;
	v13 =	vadd.f32 v47, v13  }
0xd4: {  	v50 =	vperm.xlane v5, v44;
	v17 =	vperm.xlane v17, v0;
	v8 =	vadd.f32 v48, v8  }
0xd5: {  	v7 =	vadd.f32 v12, v7;
	v51 =	vperm.xlane v49, v0;
	v10 =	vadd.f32 v10, v13  }
0xd6: {  	v52 =	vsel vm0, $0x0, v17;
	v8 =	vadd.f32 v50, v8  }
0xd7: {  	v53 =	vperm.xlane v7, v0;
	v12 =	vsel vm0, $0x0, v51;
	v10 =	vadd.f32 v52, v10  }
0xd8: {  	v8 =	vadd.f32 v12, v8  }
0xd9: {  	v7 =	vadd.f32 v7, v53;
	v54 =	vperm.xlane v10, v0  }
0xda: {  	v55 =	vperm.xlane v8, v0  }
0xdb: {  	v14 =	vperm.xlane v7, v1;
	v10 =	vadd.f32 v10, v54  }
0xdc: {  	v9 =	vadd.f32 v9, v11;
	v8 =	vadd.f32 v8, v55  }
0xdd: {  	v7 =	vadd.f32 v7, v14;
	v56 =	vperm.xlane v10, v1  }
0xde: {  	v57 =	vperm.xlane v9, v2;
	v13 =	vperm.xlane v8, v1  }
0xdf: {  	v14 =	vperm.xlane v7, v2;
	v10 =	vadd.f32 v10, v56  }
0xe0: {  	v9 =	vadd.f32 v9, v57;
	v8 =	vadd.f32 v8, v13  }
0xe1: {  	v7 =	vadd.f32 v7, v14;
	v11 =	vperm.xlane v10, v2  }
0xe2: {  	v12 =	vperm.xlane v9, v3;
	v13 =	vperm.xlane v8, v2  }
0xe3: {  	v58 =	vmov s26;
	v59 =	vperm.xlane v7, v3;
	v10 =	vadd.f32 v10, v11  }
0xe4: {  	v60 =	vmov s24;
	v9 =	vadd.f32 v9, v12;
	v8 =	vadd.f32 v8, v13  }
0xe5: {  	vm1 =	veq.s32 v58, v4;
	v7 =	vadd.f32 v7, v59;
	v61 =	vperm.xlane v10, v3  }
0xe6: {  	v63 =	vld [tilespmem:s22+$0x10080];
	v6 =	vsel vm1, v9, v6;
	vm1 =	veq.s32 v60, v4;
	v62 =	vperm.xlane v8, v3  }
0xe7: {  	s21 =	sadd.s32 $0x1, s21;
	v6 =	vsel vm1, v7, v6;
	v7 =	vmov s23;
	v10 =	vadd.f32 v10, v61  }
0xe8: {  	p0 =	sne.s32 s21, $0x8;
	vm1 =	veq.s32 v7, v4;
	v7 =	vmov s25;
	v8 =	vadd.f32 v8, v62  }
.Ltmp3:
0xe9: {  	v6 =	vsel vm1, v10, v6;
	vm1 =	veq.s32 v7, v4;
	(pc) =	sbr.rel @p0 .LBB2_6-.Ltmp3, $3  }
0xea: {  	v6 =	vsel vm1, v8, v6  }
0xeb: {  	v6 =	vadd.f32 v63, v6;
	_ =	sdelay $0x1  }
0xec: {  	s20 =	sadd.s32 $0x1000, s20;
	[tilespmem:s22+$0x10280] =	vst v6  }
0xed: {  	_ =	swait.ge [sflag:s14], $0x8000  }
0xee: {  	s19 =	simm.s32 $0x0;
	[sflag:s14] =	ssyncset.done $0x0  }
0xef: {  	s20 =	simm.s32 $0x0;
	s21 =	simm.s32 $0x0;
	[sflag:s14] =	ssyncadd.s32 $0xFFFF8000  }
0xf0: {  	[tilespmem:s15], [sflag:$0x2] =	stream.linear.gather [hbm4b:s8+s19], $0x8000, $0x38;
	[tilespmem:$0x10480] =	vst v63  }
.LBB2_10:
0xf1: {  	s0 =	sand.u32 $0x7800, s20;
	s2 =	sand.u32 $0x380, s19  }
0xf2: {  	s0 =	sor.u32 s2, s0  }
0xf3: {  	v6 =	vld [tilespmem:s0+$0x0];
	_ =	sdelay $0x1  }
0xf4: {  	v7 =	vld [tilespmem:s0+$0x10];
	_ =	sdelay $0x1  }
0xf5: {  	v8 =	vld [tilespmem:s0+$0x20]  }
0xf6: {  	v6 =	vperm.xlane v5, v6  }
0xf7: {  	v9 =	vld [tilespmem:s0+$0x30]  }
0xf8: {  	v7 =	vperm.xlane v5, v7;
	v6 =	vadd.f32 $0.0e+00, v6  }
0xf9: {  	v10 =	vld [tilespmem:s0+$0x40]  }
0xfa: {  	v11 =	vld [tilespmem:s0+$0x430];
	v6 =	vadd.f32 v7, v6;
	v7 =	vperm.xlane v5, v8  }
0xfb: {  	s26 =	simm.s32 $0x80;
	s23 =	sadd.s32 $0x100, s20;
	v8 =	vld [tilespmem:s0+$0x50]  }
0xfc: {  	s22 =	sand.u32 $0x7800, s23;
	s2 =	sand.u32 $0x380, s26;
	v12 =	vld [tilespmem:s0+$0x420];
	v6 =	vadd.f32 v7, v6;
	v7 =	vperm.xlane v5, v9  }
0xfd: {  	s22 =	sor.u32 s2, s22;
	v9 =	vld [tilespmem:s0+$0x60]  }
0xfe: {  	v13 =	vld [tilespmem:s22+$0x0];
	v10 =	vperm.xlane v5, v10;
	v6 =	vadd.f32 v7, v6  }
0xff: {  	v7 =	vld [tilespmem:s0+$0x70]  }
0x100: {  	v14 =	vld [tilespmem:s22+$0x10];
	v8 =	vperm.xlane v5, v8;
	v6 =	vadd.f32 v10, v6  }
0x101: {  	v10 =	vld [tilespmem:s0+$0x400]  }
0x102: {  	v15 =	vld [tilespmem:s22+$0x20];
	v9 =	vperm.xlane v5, v9;
	v6 =	vadd.f32 v8, v6  }
0x103: {  	v8 =	vperm.xlane v5, v13;
	v13 =	vld [tilespmem:s0+$0x410]  }
0x104: {  	v16 =	vld [tilespmem:s22+$0x30];
	s0 =	sor.u32 $0x440, s0;
	v7 =	vperm.xlane v5, v7;
	v6 =	vadd.f32 v9, v6  }
0x105: {  	v17 =	vld.msk [tilespmem:s0+$0x0], $0xff;
	v8 =	vadd.f32 $0.0e+00, v8;
	v9 =	vperm.xlane v5, v14  }
0x106: {  	v14 =	vld [tilespmem:s22+$0x40];
	v10 =	vperm.xlane v5, v10;
	v6 =	vadd.f32 v7, v6  }
0x107: {  	v18 =	vld [tilespmem:s22+$0x400];
	v8 =	vadd.f32 v9, v8;
	v9 =	vperm.xlane v5, v15  }
0x108: {  	s24 =	simm.s32 $0x100;
	s25 =	sadd.s32 $0x100, s23;
	v15 =	vld [tilespmem:s22+$0x50];
	v6 =	vadd.f32 v10, v6;
	v10 =	vperm.xlane v5, v13  }
0x109: {  	s23 =	sand.u32 $0x7800, s25;
	v19 =	vld [tilespmem:s22+$0x410];
	s0 =	sand.u32 $0x380, s24;
	v9 =	vadd.f32 v9, v8;
	v13 =	vperm.xlane v5, v16  }
0x10a: {  	s28 =	sor.u32 s0, s23;
	v16 =	vld [tilespmem:s22+$0x60];
	v6 =	vadd.f32 v10, v6;
	v10 =	vperm.xlane v5, v12  }
0x10b: {  	v12 =	vperm.xlane v5, v14;
	v14 =	vld [tilespmem:s28+$0x0];
	v9 =	vadd.f32 v13, v9;
	v13 =	vperm.xlane v5, v17  }
0x10c: {  	v17 =	vld [tilespmem:s22+$0x70];
	v6 =	vadd.f32 v10, v6;
	v10 =	vperm.xlane v5, v11  }
0x10d: {  	v11 =	vperm.xlane v5, v15;
	v15 =	vld [tilespmem:s28+$0x10];
	v9 =	vadd.f32 v12, v9;
	v12 =	vperm.xlane v13, v0  }
0x10e: {  	v7 =	vld [tilespmem:s22+$0x430];
	v6 =	vadd.f32 v10, v6  }
0x10f: {  	v10 =	vperm.xlane v5, v16;
	v16 =	vld [tilespmem:s28+$0x20];
	v9 =	vadd.f32 v11, v9;
	v11 =	vsel vm0, $0x0, v12  }
0x110: {  	v8 =	vld [tilespmem:s22+$0x420];
	v12 =	vperm.xlane v5, v14;
	v6 =	vadd.f32 v11, v6  }
0x111: {  	v11 =	vld [tilespmem:s28+$0x30];
	v9 =	vadd.f32 v10, v9;
	v10 =	vperm.xlane v5, v17  }
0x112: {  	s26 =	sor.u32 $0x440, s22;
	v13 =	vld [tilespmem:s28+$0x40];
	v14 =	vadd.f32 $0.0e+00, v12;
	v15 =	vperm.xlane v5, v15;
	v17 =	vperm.xlane v6, v0  }
0x113: {  	s30 =	simm.s32 $0x180;
	v18 =	vperm.xlane v5, v18;
	v12 =	vld.msk [tilespmem:s26+$0x0], $0xff;
	v20 =	vadd.f32 v10, v9  }
0x114: {  	s31 =	simm.s32 $0x4;
	s29 =	sadd.s32 $0x100, s25;
	s25 =	simm.s32 $0x3;
	v15 =	vadd.f32 v15, v14;
	v21 =	vperm.xlane v5, v16;
	v14 =	vld [tilespmem:s28+$0x50];
	v9 =	vadd.f32 v6, v17  }
0x115: {  	s2 =	sand.u32 $0x380, s30;
	s24 =	simm.s32 $0x1;
	s23 =	simm.s32 $0x2;
	v10 =	vld [tilespmem:s28+$0x430];
	v6 =	vimm.f32 $0.0e+00;
	v16 =	vadd.f32 v18, v20;
	v17 =	vperm.xlane v5, v19  }
0x116: {  	s0 =	sand.u32 $0x7800, s29;
	s22 =	sshll.u32 s21, $0x4;
	s26 =	simm.s32 $0x0;
	v18 =	vadd.f32 v21, v15;
	v19 =	vperm.xlane v5, v11;
	v15 =	vld [tilespmem:s28+$0x60];
	v11 =	vperm.xlane v9, v1  }
.LBB2_11:
0x117: {  	p0 =	sne.s32 s31, $0xF;
	s0 =	sor.u32 s2, s0;
	v13 =	vperm.xlane v5, v13;
	v16 =	vadd.f32 v17, v16;
	v17 =	vperm.xlane v5, v8;
	v8 =	vld [tilespmem:s28+$0x420]  }
0x118: {  	v20 =	vld [tilespmem:s0+$0x0];
	v18 =	vadd.f32 v19, v18;
	v12 =	vperm.xlane v5, v12;
	v9 =	vadd.f32 v9, v11  }
0x119: {  	v11 =	vperm.xlane v5, v14;
	v14 =	vld [tilespmem:s28+$0x70];
	v16 =	vadd.f32 v17, v16;
	v17 =	vperm.xlane v5, v7  }
0x11a: {  	v19 =	vld [tilespmem:s0+$0x10];
	v13 =	vadd.f32 v13, v18;
	v12 =	vperm.xlane v12, v0;
	v18 =	vperm.xlane v9, v2;
	v7 =	vmovc v10  }
0x11b: {  	v10 =	vperm.xlane v5, v15;
	v15 =	vld [tilespmem:s28+$0x400];
	v16 =	vadd.f32 v17, v16;
	v17 =	vmov s26;
	s26 =	smov.u32 s24;
	s24 =	smov.u32 s23;
	s23 =	smov.u32 s25  }
0x11c: {  	s25 =	smov.u32 s31;
	v21 =	vld [tilespmem:s0+$0x20];
	v11 =	vadd.f32 v11, v13;
	v12 =	vsel vm0, $0x0, v12;
	v9 =	vadd.f32 v9, v18  }
0x11d: {  	vm1 =	veq.s32 v17, v4;
	v13 =	vperm.xlane v5, v20;
	v18 =	vld [tilespmem:s28+$0x410];
	v16 =	vadd.f32 v12, v16  }
0x11e: {  	v20 =	vld [tilespmem:s0+$0x30];
	v10 =	vadd.f32 v10, v11;
	v11 =	vperm.xlane v5, v14;
	v14 =	vperm.xlane v9, v3  }
.Ltmp4:
0x11f: {  	s2 =	sor.u32 $0x440, s28;
	s28 =	smov.u32 s0;
	v17 =	vadd.f32 $0.0e+00, v13;
	v19 =	vperm.xlane v5, v19;
	v13 =	vld [tilespmem:s0+$0x40];
	v22 =	vperm.xlane v16, v0;
	(pc) =	sbr.rel @p0 .LBB2_11-.Ltmp4, $4  }
0x120: {  	v11 =	vadd.f32 v11, v10;
	v15 =	vperm.xlane v5, v15;
	v12 =	vld.msk [tilespmem:s2+$0x0], $0xff;
	v23 =	vadd.f32 v9, v14  }
0x121: {  	v19 =	vadd.f32 v19, v17;
	v21 =	vperm.xlane v5, v21;
	v14 =	vld [tilespmem:s28+$0x50];
	v9 =	vadd.f32 v16, v22  }
0x122: {  	s30 =	sadd.s32 $0x80, s30;
	s29 =	sadd.s32 $0x100, s29;
	v10 =	vld [tilespmem:s28+$0x430];
	v16 =	vadd.f32 v15, v11;
	v17 =	vperm.xlane v5, v18;
	v6 =	vsel vm1, v23, v6  }
0x123: {  	s31 =	sadd.s32 $0x1, s31;
	s0 =	sand.u32 $0x7800, s29;
	s2 =	sand.u32 $0x380, s30;
	v18 =	vadd.f32 v21, v19;
	v19 =	vperm.xlane v5, v20;
	v15 =	vld [tilespmem:s28+$0x60];
	v11 =	vperm.xlane v9, v1  }
0x124: {  	s0 =	sor.u32 s2, s0  }
0x125: {  	v20 =	vld [tilespmem:s0+$0x0];
	_ =	sdelay $0x1  }
0x126: {  	v21 =	vld [tilespmem:s0+$0x10];
	_ =	sdelay $0x1  }
0x127: {  	v22 =	vld [tilespmem:s0+$0x20]  }
0x128: {  	v20 =	vperm.xlane v5, v20  }
0x129: {  	v23 =	vld [tilespmem:s0+$0x30]  }
0x12a: {  	v21 =	vperm.xlane v5, v21;
	v20 =	vadd.f32 $0.0e+00, v20  }
0x12b: {  	v24 =	vld [tilespmem:s0+$0x40]  }
0x12c: {  	v27 =	vperm.xlane v5, v22;
	v20 =	vadd.f32 v21, v20  }
0x12d: {  	v28 =	vld [tilespmem:s0+$0x50]  }
0x12e: {  	v29 =	vld [tilespmem:s28+$0x420];
	v23 =	vperm.xlane v5, v23;
	v20 =	vadd.f32 v27, v20  }
0x12f: {  	v13 =	vperm.xlane v5, v13;
	v18 =	vadd.f32 v19, v18;
	v30 =	vld [tilespmem:s0+$0x60]  }
0x130: {  	v31 =	vld [tilespmem:s28+$0x70];
	v24 =	vperm.xlane v5, v24;
	v20 =	vadd.f32 v23, v20  }
0x131: {  	v32 =	vld [tilespmem:s0+$0x70];
	v14 =	vperm.xlane v5, v14;
	v13 =	vadd.f32 v13, v18  }
0x132: {  	v33 =	vld [tilespmem:s28+$0x400];
	v22 =	vperm.xlane v5, v28;
	v20 =	vadd.f32 v24, v20  }
0x133: {  	v34 =	vld [tilespmem:s0+$0x400];
	v15 =	vperm.xlane v5, v15;
	v13 =	vadd.f32 v14, v13  }
0x134: {  	v16 =	vadd.f32 v17, v16;
	v36 =	vld [tilespmem:s28+$0x410];
	v19 =	vperm.xlane v5, v30;
	v35 =	vadd.f32 v22, v20  }
0x135: {  	v8 =	vperm.xlane v5, v8;
	s30 =	sor.u32 $0x440, s28;
	v38 =	vld [tilespmem:s0+$0x410];
	v37 =	vperm.xlane v5, v31;
	v13 =	vadd.f32 v15, v13  }
0x136: {  	v7 =	vperm.xlane v5, v7;
	v40 =	vld.msk [tilespmem:s30+$0x0], $0xff;
	v18 =	vperm.xlane v5, v32;
	v39 =	vadd.f32 v19, v35  }
0x137: {  	v12 =	vperm.xlane v5, v12;
	v42 =	vld [tilespmem:s0+$0x420];
	s31 =	sor.u32 $0x440, s0;
	v41 =	vperm.xlane v5, v33;
	v13 =	vadd.f32 v37, v13  }
0x138: {  	v8 =	vadd.f32 v8, v16;
	v43 =	vld.msk [tilespmem:s31+$0x0], $0xff;
	v14 =	vperm.xlane v5, v34;
	v16 =	vadd.f32 v18, v39  }
0x139: {  	v44 =	vld [tilespmem:s0+$0x430];
	v12 =	vperm.xlane v12, v0;
	v13 =	vadd.f32 v41, v13;
	v20 =	vperm.xlane v5, v36  }
0x13a: {  	v10 =	vperm.xlane v5, v10;
	v46 =	vperm.xlane v5, v38;
	v45 =	vadd.f32 v14, v16  }
0x13b: {  	v7 =	vadd.f32 v7, v8;
	v47 =	vperm.xlane v5, v29;
	v13 =	vadd.f32 v20, v13  }
0x13c: {  	v17 =	vperm.xlane v5, v40;
	v48 =	vperm.xlane v5, v42;
	v8 =	vadd.f32 v46, v45  }
0x13d: {  	v12 =	vsel vm0, $0x0, v12;
	v49 =	vperm.xlane v5, v43;
	v13 =	vadd.f32 v47, v13  }
0x13e: {  	v50 =	vperm.xlane v5, v44;
	v17 =	vperm.xlane v17, v0;
	v8 =	vadd.f32 v48, v8  }
0x13f: {  	v7 =	vadd.f32 v12, v7;
	v51 =	vperm.xlane v49, v0;
	v10 =	vadd.f32 v10, v13  }
0x140: {  	v52 =	vsel vm0, $0x0, v17;
	v8 =	vadd.f32 v50, v8  }
0x141: {  	v53 =	vperm.xlane v7, v0;
	v12 =	vsel vm0, $0x0, v51;
	v10 =	vadd.f32 v52, v10  }
0x142: {  	v8 =	vadd.f32 v12, v8  }
0x143: {  	v7 =	vadd.f32 v7, v53;
	v54 =	vperm.xlane v10, v0  }
0x144: {  	v55 =	vperm.xlane v8, v0  }
0x145: {  	v14 =	vperm.xlane v7, v1;
	v10 =	vadd.f32 v10, v54  }
0x146: {  	v9 =	vadd.f32 v9, v11;
	v8 =	vadd.f32 v8, v55  }
0x147: {  	v7 =	vadd.f32 v7, v14;
	v56 =	vperm.xlane v10, v1  }
0x148: {  	v57 =	vperm.xlane v9, v2;
	v13 =	vperm.xlane v8, v1  }
0x149: {  	v14 =	vperm.xlane v7, v2;
	v10 =	vadd.f32 v10, v56  }
0x14a: {  	v9 =	vadd.f32 v9, v57;
	v8 =	vadd.f32 v8, v13  }
0x14b: {  	v7 =	vadd.f32 v7, v14;
	v11 =	vperm.xlane v10, v2  }
0x14c: {  	v12 =	vperm.xlane v9, v3;
	v13 =	vperm.xlane v8, v2  }
0x14d: {  	v58 =	vmov s26;
	v59 =	vperm.xlane v7, v3;
	v10 =	vadd.f32 v10, v11  }
0x14e: {  	v60 =	vmov s24;
	v9 =	vadd.f32 v9, v12;
	v8 =	vadd.f32 v8, v13  }
0x14f: {  	vm1 =	veq.s32 v58, v4;
	v7 =	vadd.f32 v7, v59;
	v61 =	vperm.xlane v10, v3  }
0x150: {  	v63 =	vld [tilespmem:s22+$0x10100];
	v6 =	vsel vm1, v9, v6;
	vm1 =	veq.s32 v60, v4;
	v62 =	vperm.xlane v8, v3  }
0x151: {  	s21 =	sadd.s32 $0x1, s21;
	v6 =	vsel vm1, v7, v6;
	v7 =	vmov s23;
	v10 =	vadd.f32 v10, v61  }
0x152: {  	p0 =	sne.s32 s21, $0x8;
	vm1 =	veq.s32 v7, v4;
	v7 =	vmov s25;
	v8 =	vadd.f32 v8, v62  }
.Ltmp5:
0x153: {  	v6 =	vsel vm1, v10, v6;
	vm1 =	veq.s32 v7, v4;
	(pc) =	sbr.rel @p0 .LBB2_10-.Ltmp5, $3  }
0x154: {  	v6 =	vsel vm1, v8, v6  }
0x155: {  	v6 =	vadd.f32 v63, v6;
	_ =	sdelay $0x1  }
0x156: {  	s20 =	sadd.s32 $0x1000, s20;
	[tilespmem:s22+$0x10300] =	vst v6  }
0x157: {  	_ =	swait.ge [sflag:s16], $0x8000  }
0x158: {  	s19 =	simm.s32 $0x0;
	[sflag:s16] =	ssyncset.done $0x0  }
0x159: {  	s20 =	simm.s32 $0x0;
	s21 =	simm.s32 $0x0;
	[sflag:s16] =	ssyncadd.s32 $0xFFFF8000  }
.LBB2_14:
0x15a: {  	s0 =	sand.u32 $0x7800, s20;
	s2 =	sand.u32 $0x380, s19  }
0x15b: {  	s0 =	sor.u32 s2, s0  }
0x15c: {  	v6 =	vld [tilespmem:s0+$0x8000];
	_ =	sdelay $0x1  }
0x15d: {  	v7 =	vld [tilespmem:s0+$0x8010];
	_ =	sdelay $0x1  }
0x15e: {  	v8 =	vld [tilespmem:s0+$0x8020]  }
0x15f: {  	v6 =	vperm.xlane v5, v6  }
0x160: {  	v9 =	vld [tilespmem:s0+$0x8030]  }
0x161: {  	v7 =	vperm.xlane v5, v7;
	v6 =	vadd.f32 $0.0e+00, v6  }
0x162: {  	v10 =	vld [tilespmem:s0+$0x8040]  }
0x163: {  	v11 =	vld [tilespmem:s0+$0x8430];
	v6 =	vadd.f32 v7, v6;
	v7 =	vperm.xlane v5, v8  }
0x164: {  	s26 =	simm.s32 $0x80;
	s23 =	sadd.s32 $0x100, s20;
	v8 =	vld [tilespmem:s0+$0x8050]  }
0x165: {  	s22 =	sand.u32 $0x7800, s23;
	s2 =	sand.u32 $0x380, s26;
	v12 =	vld [tilespmem:s0+$0x8420];
	v6 =	vadd.f32 v7, v6;
	v7 =	vperm.xlane v5, v9  }
0x166: {  	s22 =	sor.u32 s2, s22;
	v9 =	vld [tilespmem:s0+$0x8060]  }
0x167: {  	v13 =	vld [tilespmem:s22+$0x8000];
	v10 =	vperm.xlane v5, v10;
	v6 =	vadd.f32 v7, v6  }
0x168: {  	v7 =	vld [tilespmem:s0+$0x8070]  }
0x169: {  	v14 =	vld [tilespmem:s22+$0x8010];
	v8 =	vperm.xlane v5, v8;
	v6 =	vadd.f32 v10, v6  }
0x16a: {  	v10 =	vld [tilespmem:s0+$0x8400]  }
0x16b: {  	v15 =	vld [tilespmem:s22+$0x8020];
	v9 =	vperm.xlane v5, v9;
	v6 =	vadd.f32 v8, v6  }
0x16c: {  	v8 =	vperm.xlane v5, v13;
	v13 =	vld [tilespmem:s0+$0x8410]  }
0x16d: {  	v16 =	vld [tilespmem:s22+$0x8030];
	s0 =	sor.u32 $0x8440, s0;
	v7 =	vperm.xlane v5, v7;
	v6 =	vadd.f32 v9, v6  }
0x16e: {  	v17 =	vld.msk [tilespmem:s0+$0x0], $0xff;
	v8 =	vadd.f32 $0.0e+00, v8;
	v9 =	vperm.xlane v5, v14  }
0x16f: {  	v14 =	vld [tilespmem:s22+$0x8040];
	v10 =	vperm.xlane v5, v10;
	v6 =	vadd.f32 v7, v6  }
0x170: {  	v18 =	vld [tilespmem:s22+$0x8400];
	v8 =	vadd.f32 v9, v8;
	v9 =	vperm.xlane v5, v15  }
0x171: {  	s24 =	simm.s32 $0x100;
	s25 =	sadd.s32 $0x100, s23;
	v15 =	vld [tilespmem:s22+$0x8050];
	v6 =	vadd.f32 v10, v6;
	v10 =	vperm.xlane v5, v13  }
0x172: {  	s23 =	sand.u32 $0x7800, s25;
	v19 =	vld [tilespmem:s22+$0x8410];
	s0 =	sand.u32 $0x380, s24;
	v9 =	vadd.f32 v9, v8;
	v13 =	vperm.xlane v5, v16  }
0x173: {  	s28 =	sor.u32 s0, s23;
	v16 =	vld [tilespmem:s22+$0x8060];
	v6 =	vadd.f32 v10, v6;
	v10 =	vperm.xlane v5, v12  }
0x174: {  	v12 =	vperm.xlane v5, v14;
	v14 =	vld [tilespmem:s28+$0x8000];
	v9 =	vadd.f32 v13, v9;
	v13 =	vperm.xlane v5, v17  }
0x175: {  	v17 =	vld [tilespmem:s22+$0x8070];
	v6 =	vadd.f32 v10, v6;
	v10 =	vperm.xlane v5, v11  }
0x176: {  	v11 =	vperm.xlane v5, v15;
	v15 =	vld [tilespmem:s28+$0x8010];
	v9 =	vadd.f32 v12, v9;
	v12 =	vperm.xlane v13, v0  }
0x177: {  	v7 =	vld [tilespmem:s22+$0x8430];
	v6 =	vadd.f32 v10, v6  }
0x178: {  	v10 =	vperm.xlane v5, v16;
	v16 =	vld [tilespmem:s28+$0x8020];
	v9 =	vadd.f32 v11, v9;
	v11 =	vsel vm0, $0x0, v12  }
0x179: {  	v8 =	vld [tilespmem:s22+$0x8420];
	v12 =	vperm.xlane v5, v14;
	v6 =	vadd.f32 v11, v6  }
0x17a: {  	v11 =	vld [tilespmem:s28+$0x8030];
	v9 =	vadd.f32 v10, v9;
	v10 =	vperm.xlane v5, v17  }
0x17b: {  	s26 =	sor.u32 $0x8440, s22;
	v13 =	vld [tilespmem:s28+$0x8040];
	v14 =	vadd.f32 $0.0e+00, v12;
	v15 =	vperm.xlane v5, v15;
	v17 =	vperm.xlane v6, v0  }
0x17c: {  	s30 =	simm.s32 $0x180;
	v18 =	vperm.xlane v5, v18;
	v12 =	vld.msk [tilespmem:s26+$0x0], $0xff;
	v20 =	vadd.f32 v10, v9  }
0x17d: {  	s31 =	simm.s32 $0x4;
	s29 =	sadd.s32 $0x100, s25;
	s25 =	simm.s32 $0x3;
	v15 =	vadd.f32 v15, v14;
	v21 =	vperm.xlane v5, v16;
	v14 =	vld [tilespmem:s28+$0x8050];
	v9 =	vadd.f32 v6, v17  }
0x17e: {  	s2 =	sand.u32 $0x380, s30;
	s24 =	simm.s32 $0x1;
	s23 =	simm.s32 $0x2;
	v10 =	vld [tilespmem:s28+$0x8430];
	v6 =	vimm.f32 $0.0e+00;
	v16 =	vadd.f32 v18, v20;
	v17 =	vperm.xlane v5, v19  }
0x17f: {  	s0 =	sand.u32 $0x7800, s29;
	s22 =	sshll.u32 s21, $0x4;
	s26 =	simm.s32 $0x0;
	v18 =	vadd.f32 v21, v15;
	v19 =	vperm.xlane v5, v11;
	v15 =	vld [tilespmem:s28+$0x8060];
	v11 =	vperm.xlane v9, v1  }
.LBB2_15:
0x180: {  	p0 =	sne.s32 s31, $0xF;
	s0 =	sor.u32 s2, s0;
	v13 =	vperm.xlane v5, v13;
	v16 =	vadd.f32 v17, v16;
	v17 =	vperm.xlane v5, v8;
	v8 =	vld [tilespmem:s28+$0x8420]  }
0x181: {  	v20 =	vld [tilespmem:s0+$0x8000];
	v18 =	vadd.f32 v19, v18;
	v12 =	vperm.xlane v5, v12;
	v9 =	vadd.f32 v9, v11  }
0x182: {  	v11 =	vperm.xlane v5, v14;
	v14 =	vld [tilespmem:s28+$0x8070];
	v16 =	vadd.f32 v17, v16;
	v17 =	vperm.xlane v5, v7  }
0x183: {  	v19 =	vld [tilespmem:s0+$0x8010];
	v13 =	vadd.f32 v13, v18;
	v12 =	vperm.xlane v12, v0;
	v18 =	vperm.xlane v9, v2;
	v7 =	vmovc v10  }
0x184: {  	v10 =	vperm.xlane v5, v15;
	v15 =	vld [tilespmem:s28+$0x8400];
	v16 =	vadd.f32 v17, v16;
	v17 =	vmov s26;
	s26 =	smov.u32 s24;
	s24 =	smov.u32 s23;
	s23 =	smov.u32 s25  }
0x185: {  	s25 =	smov.u32 s31;
	v21 =	vld [tilespmem:s0+$0x8020];
	v11 =	vadd.f32 v11, v13;
	v12 =	vsel vm0, $0x0, v12;
	v9 =	vadd.f32 v9, v18  }
0x186: {  	vm1 =	veq.s32 v17, v4;
	v13 =	vperm.xlane v5, v20;
	v18 =	vld [tilespmem:s28+$0x8410];
	v16 =	vadd.f32 v12, v16  }
0x187: {  	v20 =	vld [tilespmem:s0+$0x8030];
	v10 =	vadd.f32 v10, v11;
	v11 =	vperm.xlane v5, v14;
	v14 =	vperm.xlane v9, v3  }
.Ltmp6:
0x188: {  	s2 =	sor.u32 $0x8440, s28;
	s28 =	smov.u32 s0;
	v17 =	vadd.f32 $0.0e+00, v13;
	v19 =	vperm.xlane v5, v19;
	v13 =	vld [tilespmem:s0+$0x8040];
	v22 =	vperm.xlane v16, v0;
	(pc) =	sbr.rel @p0 .LBB2_15-.Ltmp6, $4  }
0x189: {  	v11 =	vadd.f32 v11, v10;
	v15 =	vperm.xlane v5, v15;
	v12 =	vld.msk [tilespmem:s2+$0x0], $0xff;
	v23 =	vadd.f32 v9, v14  }
0x18a: {  	v19 =	vadd.f32 v19, v17;
	v21 =	vperm.xlane v5, v21;
	v14 =	vld [tilespmem:s28+$0x8050];
	v9 =	vadd.f32 v16, v22  }
0x18b: {  	s30 =	sadd.s32 $0x80, s30;
	s29 =	sadd.s32 $0x100, s29;
	v10 =	vld [tilespmem:s28+$0x8430];
	v16 =	vadd.f32 v15, v11;
	v17 =	vperm.xlane v5, v18;
	v6 =	vsel vm1, v23, v6  }
0x18c: {  	s31 =	sadd.s32 $0x1, s31;
	s0 =	sand.u32 $0x7800, s29;
	s2 =	sand.u32 $0x380, s30;
	v18 =	vadd.f32 v21, v19;
	v19 =	vperm.xlane v5, v20;
	v15 =	vld [tilespmem:s28+$0x8060];
	v11 =	vperm.xlane v9, v1  }
0x18d: {  	s0 =	sor.u32 s2, s0  }
0x18e: {  	v20 =	vld [tilespmem:s0+$0x8000];
	_ =	sdelay $0x1  }
0x18f: {  	v21 =	vld [tilespmem:s0+$0x8010];
	_ =	sdelay $0x1  }
0x190: {  	v22 =	vld [tilespmem:s0+$0x8020]  }
0x191: {  	v20 =	vperm.xlane v5, v20  }
0x192: {  	v23 =	vld [tilespmem:s0+$0x8030]  }
0x193: {  	v21 =	vperm.xlane v5, v21;
	v20 =	vadd.f32 $0.0e+00, v20  }
0x194: {  	v24 =	vld [tilespmem:s0+$0x8040]  }
0x195: {  	v27 =	vperm.xlane v5, v22;
	v20 =	vadd.f32 v21, v20  }
0x196: {  	v28 =	vld [tilespmem:s0+$0x8050]  }
0x197: {  	v29 =	vld [tilespmem:s28+$0x8420];
	v23 =	vperm.xlane v5, v23;
	v20 =	vadd.f32 v27, v20  }
0x198: {  	v13 =	vperm.xlane v5, v13;
	v18 =	vadd.f32 v19, v18;
	v30 =	vld [tilespmem:s0+$0x8060]  }
0x199: {  	v31 =	vld [tilespmem:s28+$0x8070];
	v24 =	vperm.xlane v5, v24;
	v20 =	vadd.f32 v23, v20  }
0x19a: {  	v32 =	vld [tilespmem:s0+$0x8070];
	v14 =	vperm.xlane v5, v14;
	v13 =	vadd.f32 v13, v18  }
0x19b: {  	v33 =	vld [tilespmem:s28+$0x8400];
	v22 =	vperm.xlane v5, v28;
	v20 =	vadd.f32 v24, v20  }
0x19c: {  	v34 =	vld [tilespmem:s0+$0x8400];
	v15 =	vperm.xlane v5, v15;
	v13 =	vadd.f32 v14, v13  }
0x19d: {  	v16 =	vadd.f32 v17, v16;
	v36 =	vld [tilespmem:s28+$0x8410];
	v19 =	vperm.xlane v5, v30;
	v35 =	vadd.f32 v22, v20  }
0x19e: {  	v8 =	vperm.xlane v5, v8;
	s30 =	sor.u32 $0x8440, s28;
	v38 =	vld [tilespmem:s0+$0x8410];
	v37 =	vperm.xlane v5, v31;
	v13 =	vadd.f32 v15, v13  }
0x19f: {  	v7 =	vperm.xlane v5, v7;
	v40 =	vld.msk [tilespmem:s30+$0x0], $0xff;
	v18 =	vperm.xlane v5, v32;
	v39 =	vadd.f32 v19, v35  }
0x1a0: {  	v12 =	vperm.xlane v5, v12;
	v42 =	vld [tilespmem:s0+$0x8420];
	s31 =	sor.u32 $0x8440, s0;
	v41 =	vperm.xlane v5, v33;
	v13 =	vadd.f32 v37, v13  }
0x1a1: {  	v8 =	vadd.f32 v8, v16;
	v43 =	vld.msk [tilespmem:s31+$0x0], $0xff;
	v14 =	vperm.xlane v5, v34;
	v16 =	vadd.f32 v18, v39  }
0x1a2: {  	v44 =	vld [tilespmem:s0+$0x8430];
	v12 =	vperm.xlane v12, v0;
	v13 =	vadd.f32 v41, v13;
	v20 =	vperm.xlane v5, v36  }
0x1a3: {  	v10 =	vperm.xlane v5, v10;
	v46 =	vperm.xlane v5, v38;
	v45 =	vadd.f32 v14, v16  }
0x1a4: {  	v7 =	vadd.f32 v7, v8;
	v47 =	vperm.xlane v5, v29;
	v13 =	vadd.f32 v20, v13  }
0x1a5: {  	v17 =	vperm.xlane v5, v40;
	v48 =	vperm.xlane v5, v42;
	v8 =	vadd.f32 v46, v45  }
0x1a6: {  	v12 =	vsel vm0, $0x0, v12;
	v49 =	vperm.xlane v5, v43;
	v13 =	vadd.f32 v47, v13  }
0x1a7: {  	v50 =	vperm.xlane v5, v44;
	v17 =	vperm.xlane v17, v0;
	v8 =	vadd.f32 v48, v8  }
0x1a8: {  	v7 =	vadd.f32 v12, v7;
	v51 =	vperm.xlane v49, v0;
	v10 =	vadd.f32 v10, v13  }
0x1a9: {  	v52 =	vsel vm0, $0x0, v17;
	v8 =	vadd.f32 v50, v8  }
0x1aa: {  	v53 =	vperm.xlane v7, v0;
	v12 =	vsel vm0, $0x0, v51;
	v10 =	vadd.f32 v52, v10  }
0x1ab: {  	v8 =	vadd.f32 v12, v8  }
0x1ac: {  	v7 =	vadd.f32 v7, v53;
	v54 =	vperm.xlane v10, v0  }
0x1ad: {  	v55 =	vperm.xlane v8, v0  }
0x1ae: {  	v14 =	vperm.xlane v7, v1;
	v10 =	vadd.f32 v10, v54  }
0x1af: {  	v9 =	vadd.f32 v9, v11;
	v8 =	vadd.f32 v8, v55  }
0x1b0: {  	v7 =	vadd.f32 v7, v14;
	v56 =	vperm.xlane v10, v1  }
0x1b1: {  	v57 =	vperm.xlane v9, v2;
	v13 =	vperm.xlane v8, v1  }
0x1b2: {  	v14 =	vperm.xlane v7, v2;
	v10 =	vadd.f32 v10, v56  }
0x1b3: {  	v9 =	vadd.f32 v9, v57;
	v8 =	vadd.f32 v8, v13  }
0x1b4: {  	v7 =	vadd.f32 v7, v14;
	v11 =	vperm.xlane v10, v2  }
0x1b5: {  	v12 =	vperm.xlane v9, v3;
	v13 =	vperm.xlane v8, v2  }
0x1b6: {  	v58 =	vmov s26;
	v59 =	vperm.xlane v7, v3;
	v10 =	vadd.f32 v10, v11  }
0x1b7: {  	v60 =	vmov s24;
	v9 =	vadd.f32 v9, v12;
	v8 =	vadd.f32 v8, v13  }
0x1b8: {  	vm1 =	veq.s32 v58, v4;
	v7 =	vadd.f32 v7, v59;
	v61 =	vperm.xlane v10, v3  }
0x1b9: {  	v63 =	vld [tilespmem:s22+$0x10180];
	v6 =	vsel vm1, v9, v6;
	vm1 =	veq.s32 v60, v4;
	v62 =	vperm.xlane v8, v3  }
0x1ba: {  	s21 =	sadd.s32 $0x1, s21;
	v6 =	vsel vm1, v7, v6;
	v7 =	vmov s23;
	v10 =	vadd.f32 v10, v61  }
0x1bb: {  	p0 =	sne.s32 s21, $0x8;
	vm1 =	veq.s32 v7, v4;
	v7 =	vmov s25;
	v8 =	vadd.f32 v8, v62  }
.Ltmp7:
0x1bc: {  	v6 =	vsel vm1, v10, v6;
	vm1 =	veq.s32 v7, v4;
	(pc) =	sbr.rel @p0 .LBB2_14-.Ltmp7, $3  }
0x1bd: {  	v6 =	vsel vm1, v8, v6  }
0x1be: {  	v6 =	vadd.f32 v63, v6;
	_ =	sdelay $0x1  }
0x1bf: {  	s20 =	sadd.s32 $0x1000, s20;
	[tilespmem:s22+$0x10380] =	vst v6  }
0x1c0: {  	s18 =	sadd.s32 $0x1, s18  }
0x1c1: {  	p0 =	sne.s32 s18, s10  }
.Ltmp8:
0x1c2: {  	_ = 	snop;
	(pc) =	sbr.rel @p0 .LBB2_1-.Ltmp8, $4  }
0x1c3: {  	[hbm4b:s9+s3] =	stream.linear.scatter [tilespmem:s17], [sflag:$0x3], $0x200, $0x38;
	[tilespmem:$0x10480] =	vst v63  }
0x1c4: {  	_ =	swait.ge [sflag:s12], $0x200  }
0x1c5: {  	[sflag:s12] =	ssyncset.done $0x0  }
0x1c6: {  	[sflag:s12] =	ssyncadd.s32 $0xFFFFFE00  }
0x1c7: {  	_ =	sfence.sel $0x180000  }
0x1c8: {  	[bflag:$0x0] =	sbarrier.arrive $0xFFFF  }
0x1c9: {  	_ =	strace $0x90000047  }
0x1ca: {  	s0 =	stileid.u32;
	[bflag:$0x2] =	sbarrier.arrive $0xFFFF  }
0x1cb: {  	p0 =	sne.s32 s0, $0x0;
	s0 =	rddreg [dreg:$0x4]  }
0x1cc: {  	s0 =	sadd.s32 @!p0 $0x100000, s0  }
0x1cd: {  	[sflag:s0] =	ssyncadd.tile.s32 @!p0 $0x1;
	_ =	shalt  }
.Lfunc_end2:
_tile_overlayer_lowered:
.L_overlay_start_2:
0x1ce: {  	(tag) =	ssettag $0x2  }
0x1cf: {  	s0 =	rddreg [dreg:$0x0];
	s2 =	stileid.u32  }
0x1d0: {  	s1 =	rddreg [dreg:$0x1];
	p0 =	sne.s32 s2, $0x0  }
0x1d1: {  	s3 =	rddreg [dreg:$0x2];
	[bflag:$0x3] =	sbarrier.arrive $0xFFFF;
	s2 =	simm.s32 @!p0 $0x1C03  }
0x1d2: {  	[timem:s3], [sflag:s2] =	dma.local @!p0 [hbm:s0], s1  }
0x1d3: {  	s0 =	simm.s32 @!p0 $0x3  }
0x1d4: {  	_ =	swait.ge @!p0 [sflag:s0], s1  }
0x1d5: {  	s1 =	ssub.s32 @!p0 $0x0, s1;
	[sflag:s0] =	ssyncset.done @!p0 $0x0  }
0x1d6: {  	[sflag:s0] =	ssyncadd.s32 @!p0 s1  }
0x1d7: {  	[bflag:$0x3] =	sbarrier.arrive $0xFFFF  }
0x1d8: {  	_ =	shalt  }

</sc_bundles>
